<compile_context>
chip_gen: v7x
topology: tpu7x:2x2x1
jax: 0.10.2.dev20260603
libtpu: 0.0.44.dev20260713+nightly
codegen_flags: <defaults>
</compile_context>

<pallas_src>
import functools

import jax
import jax.numpy as jnp
from jax import lax
from jax.experimental import pallas as pl
from jax.experimental.pallas import tpu as pltpu
from jax.experimental.pallas import tpu_sc as plsc

N_EDGES = 320000
N_NODES = 10000
D = 128

NC = 2
NS = 16
NT = NC * NS
RPT = 320
RPC = NS * RPT
GARBAGE = RPC
ACC_ROWS = RPC + 8
CHUNK = 256
NCH16 = N_EDGES // 16


def _sc_kernel(src_hbm, idx_hbm, out_in_hbm, out_hbm,
               src_buf, idx_buf, probe_a, probe_b, acc_sh,
               sem, sem_sc, sem_init, sem_probe):
    c = lax.axis_index("c")
    s = lax.axis_index("s")
    n0 = (c * NS + s) * RPT
    r0 = s * RPT
    n_rows = jnp.minimum(jnp.int32(N_NODES) - n0, RPT)
    nbase = c * RPC
    g_row = jnp.int32(GARBAGE) + (s % 8)

    pltpu.async_copy(out_in_hbm.at[pl.ds(n0, n_rows)],
                     acc_sh.at[pl.ds(r0, n_rows)], sem_init)

    ta = n0
    tb = n0 + RPT

    def bs_body(i, st):
        lo_a, hi_a, lo_b, hi_b = st
        mid_a = (lo_a + hi_a) // 2
        mid_b = (lo_b + hi_b) // 2
        pltpu.async_copy(idx_hbm.at[pl.ds(mid_a * 16, 16)], probe_a, sem_probe)
        pltpu.async_copy(idx_hbm.at[pl.ds(mid_b * 16, 16)], probe_b, sem_probe)
        pltpu.make_async_copy(idx_hbm.at[pl.ds(mid_a * 16, 16)], probe_a,
                              sem_probe).wait()
        pltpu.make_async_copy(idx_hbm.at[pl.ds(mid_b * 16, 16)], probe_b,
                              sem_probe).wait()
        take_a = probe_a[...][0] < ta
        take_b = probe_b[...][0] < tb
        return (jnp.where(take_a, mid_a, lo_a), jnp.where(take_a, hi_a, mid_a),
                jnp.where(take_b, mid_b, lo_b), jnp.where(take_b, hi_b, mid_b))

    lo_a, _, lo_b, _ = lax.fori_loop(
        0, 15, bs_body,
        (jnp.int32(0), jnp.int32(NCH16), jnp.int32(0), jnp.int32(NCH16)))
    pltpu.async_copy(idx_hbm.at[pl.ds(lo_a * 16, 16)], probe_a, sem_probe)
    pltpu.async_copy(idx_hbm.at[pl.ds(lo_b * 16, 16)], probe_b, sem_probe)
    pltpu.make_async_copy(idx_hbm.at[pl.ds(lo_a * 16, 16)], probe_a,
                          sem_probe).wait()
    pltpu.make_async_copy(idx_hbm.at[pl.ds(lo_b * 16, 16)], probe_b,
                          sem_probe).wait()
    pa = probe_a[...]
    pb = probe_b[...]
    below_a = jnp.int32(0)
    below_b = jnp.int32(0)
    for k in range(16):
        below_a = below_a + jnp.where(pa[k] < ta, 1, 0)
        below_b = below_b + jnp.where(pb[k] < tb, 1, 0)
    my_lo = lo_a * 16 + below_a
    my_hi = lo_b * 16 + below_b

    pltpu.make_async_copy(out_in_hbm.at[pl.ds(n0, n_rows)],
                          acc_sh.at[pl.ds(r0, n_rows)], sem_init).wait()

    a0 = (my_lo // 8) * 8
    n_chunks = (my_hi - a0 + CHUNK - 1) // CHUNK

    def start_loads(t, b):
        e_c = jnp.minimum(a0 + t * CHUNK, N_EDGES - CHUNK)
        pltpu.async_copy(src_hbm.at[pl.ds(e_c, CHUNK), :], src_buf.at[b], sem)
        for h in range(CHUNK // 128):
            pltpu.async_copy(idx_hbm.at[pl.ds(e_c + h * 128, 128)],
                             idx_buf.at[b, h], sem)

    def wait_loads(t, b):
        e_c = jnp.minimum(a0 + t * CHUNK, N_EDGES - CHUNK)
        pltpu.make_async_copy(src_hbm.at[pl.ds(e_c, CHUNK), :],
                              src_buf.at[b], sem).wait()
        for h in range(CHUNK // 128):
            pltpu.make_async_copy(idx_hbm.at[pl.ds(e_c + h * 128, 128)],
                                  idx_buf.at[b, h], sem).wait()

    @pl.when(n_chunks > 0)
    def _():
        start_loads(0, 0)

    iota16 = lax.iota(jnp.int32, 16)

    def start_scatter(b):
        for h in range(CHUNK // 128):
            pltpu.async_copy(src_buf.at[b, pl.ds(h * 128, 128), :],
                             acc_sh.at[idx_buf.at[b, h]], sem_sc, add=True)

    def wait_scatter(b):
        for h in range(CHUNK // 128):
            pltpu.make_async_copy(src_buf.at[b, pl.ds(h * 128, 128), :],
                                  acc_sh.at[idx_buf.at[b, h]], sem_sc).wait()

    def chunk_body(t, _):
        b = t % 2
        wait_loads(t, b)

        @pl.when(t >= 1)
        def _():
            wait_scatter(1 - b)

        @pl.when(t + 1 < n_chunks)
        def _():
            start_loads(t + 1, 1 - b)

        e_c = jnp.minimum(a0 + t * CHUNK, N_EDGES - CHUNK)
        lmax = jnp.maximum(my_lo, a0 + t * CHUNK)
        interior = jnp.logical_and(lmax <= e_c, e_c + CHUNK <= my_hi)

        @pl.when(jnp.logical_not(jnp.logical_and(interior, nbase == 0)))
        def _():
            for h in range(CHUNK // 128):
                for k in range(8):
                    pos = e_c + h * 128 + k * 16 + iota16
                    v = idx_buf[b, h, pl.ds(k * 16, 16)]
                    ok = jnp.logical_and(pos >= lmax, pos < my_hi)
                    idx_buf[b, h, pl.ds(k * 16, 16)] = jnp.where(
                        ok, v - nbase, g_row)

        start_scatter(b)
        return 0

    lax.fori_loop(0, n_chunks, chunk_body, 0)

    @pl.when(n_chunks > 0)
    def _():
        wait_scatter((n_chunks - 1) % 2)

    pltpu.sync_copy(acc_sh.at[pl.ds(r0, n_rows)], out_hbm.at[pl.ds(n0, n_rows)])


@functools.partial(
    pl.kernel,
    mesh=plsc.VectorSubcoreMesh(core_axis_name="c", subcore_axis_name="s"),
    out_type=jax.ShapeDtypeStruct((N_NODES, D), jnp.float32),
    scratch_types=[
        pltpu.VMEM((2, CHUNK, D), jnp.float32),
        pltpu.VMEM((2, CHUNK // 128, 128), jnp.int32),
        pltpu.VMEM((16,), jnp.int32),
        pltpu.VMEM((16,), jnp.int32),
        pltpu.VMEM_SHARED((ACC_ROWS, D), jnp.float32),
        pltpu.SemaphoreType.DMA,
        pltpu.SemaphoreType.DMA,
        pltpu.SemaphoreType.DMA,
        pltpu.SemaphoreType.DMA,
    ],
)
def _sc_scatter(src_hbm, idx_hbm, out_in_hbm, out_hbm,
                src_buf, idx_buf, probe_a, probe_b, acc_sh,
                sem, sem_sc, sem_init, sem_probe):
    _sc_kernel(src_hbm, idx_hbm, out_in_hbm, out_hbm,
               src_buf, idx_buf, probe_a, probe_b, acc_sh,
               sem, sem_sc, sem_init, sem_probe)


@jax.jit
def kernel(src, index, out):
    idx = index.astype(jnp.int32)
    return _sc_scatter(src, idx, out)

# --- scband reference (transcript-rebuilt; emitter-appended) ---
"""Pipeline reference for scband-scatter-sum-model-64690797413099 (READ-ONLY COPY).

The authoritative reference and input builder live on the scoring server;
editing this copy changes nothing except your own understanding.
"""

import jax, jax.numpy as jnp
import numpy as np

N_EDGES = 320000
N_NODES = 10000
D_FEAT = 128

def setup_inputs(seed: int = 0) -> dict:
    key = jax.random.key(seed)
    k1, k2 = jax.random.split(key, 2)
    src = jax.random.normal(k1, (N_EDGES, D_FEAT), dtype=jnp.float32)
    index = jnp.sort(jax.random.randint(k2, (N_EDGES,), 0, N_NODES, dtype=jnp.int64))
    out = jnp.zeros((N_NODES, D_FEAT), dtype=jnp.float32)
    return {"src": src, "index": index, "out": out}

def reference(src, index, out):
    # scatter_add with dim=0: out[index[i], :] += src[i, :]
    return out.at[index].add(src)

if __name__ == "__main__":
    import jax
    _d = setup_inputs()
    print(jax.jit(kernel)(*tuple(_d.values())))

</pallas_src>

<mosaic_0001>
#map = affine_map<(d0, d1) -> (0, 0)>
#map1 = affine_map<(d0, d1) -> (0)>
module attributes {stable_mosaic.version = 14 : i64} {
  func.func @_sc_scatter(%arg0: i32, %arg1: i32, %arg2: memref<320000x128xf32, #tpu.memory_space<hbm>>, %arg3: memref<320000xi32, #tpu.memory_space<hbm>>, %arg4: memref<10000x128xf32, #tpu.memory_space<hbm>>, %arg5: memref<10000x128xf32, #tpu.memory_space<hbm>>, %arg6: memref<2x256x128xf32, #tpu.memory_space<vmem>>, %arg7: memref<2x2x128xi32, #tpu.memory_space<vmem>>, %arg8: memref<16xi32, #tpu.memory_space<vmem>>, %arg9: memref<16xi32, #tpu.memory_space<vmem>>, %arg10: memref<5128x128xf32, #tpu.memory_space<vmem_shared>>, %arg11: memref<!tpu.dma_semaphore, #tpu.memory_space<semaphore_mem>>, %arg12: memref<!tpu.dma_semaphore, #tpu.memory_space<semaphore_mem>>, %arg13: memref<!tpu.dma_semaphore, #tpu.memory_space<semaphore_mem>>, %arg14: memref<!tpu.dma_semaphore, #tpu.memory_space<semaphore_mem>>) attributes {dimension_semantics = [#tpu.dimension_semantics<core_parallel>, #tpu.dimension_semantics<subcore_parallel>], iteration_bounds = array<i64: 2, 16>, scalar_prefetch = 0 : i64, scratch_operands = 9 : i64, tpu.core_type = #tpu.core_type<sc_vector_subcore>, window_params = [{transform_indices = #map}, {transform_indices = #map1}, {transform_indices = #map}, {transform_indices = #map}]} {
    %mul3A = arith.constant 16 : i32
    %mul3A_0 = arith.muli %arg0, %mul3A : i32
    %add3A = arith.addi %mul3A_0, %arg1 : i32
    %mul3A_1 = arith.constant 320 : i32
    %mul3A_2 = arith.muli %add3A, %mul3A_1 : i32
    %mul3A_3 = arith.constant 320 : i32
    %mul3A_4 = arith.muli %arg1, %mul3A_3 : i32
    %sub3A = arith.constant 10000 : i32
    %sub3A_5 = arith.subi %sub3A, %mul3A_2 : i32
    %min3A = arith.constant 320 : i32
    %min3A_6 = arith.minsi %sub3A_5, %min3A : i32
    %mul3A_7 = arith.constant 5120 : i32
    %mul3A_8 = arith.muli %arg0, %mul3A_7 : i32
    %jit3A = arith.constant 8 : i32
    %eq3A = arith.constant 0 : i32
    %eq3A_9 = arith.cmpi eq, %jit3A, %eq3A : i32
    %jit3A_10 = arith.constant 1 : i32
    %select_n3A = arith.select %eq3A_9, %jit3A_10, %jit3A : i32
    %rem3A = arith.remsi %arg1, %select_n3A : i32
    %ne3A = arith.constant 0 : i32
    %ne3A_11 = arith.cmpi ne, %rem3A, %ne3A : i32
    %lt3A = arith.constant 0 : i32
    %lt3A_12 = arith.cmpi slt, %rem3A, %lt3A : i32
    %lt3A_13 = arith.constant 0 : i32
    %lt3A_14 = arith.cmpi slt, %select_n3A, %lt3A_13 : i32
    %ne3A_15 = arith.xori %lt3A_12, %lt3A_14 : i1
    %and3A = arith.andi %ne3A_15, %ne3A_11 : i1
    %add3A_16 = arith.addi %rem3A, %select_n3A : i32
    %select_n3A_17 = arith.select %and3A, %add3A_16, %rem3A : i32
    %add3A_18 = arith.constant 5120 : i32
    %add3A_19 = arith.addi %add3A_18, %select_n3A_17 : i32
    %dma_start3A = arith.constant 0 : i32
    %dma_start3A_20 = tpu.memref_slice %arg10[%mul3A_4, %dma_start3A] <%min3A_6> : memref<5128x128xf32, #tpu.memory_space<vmem_shared>> -> memref<?x128xf32, #tpu.memory_space<vmem_shared>>
    %dma_start3A_21 = arith.constant 0 : i32
    %dma_start3A_22 = tpu.memref_slice %arg4[%mul3A_2, %dma_start3A_21] <%min3A_6> : memref<10000x128xf32, #tpu.memory_space<hbm>> -> memref<?x128xf32, #tpu.memory_space<hbm>>
    tpu.enqueue_dma source(%dma_start3A_22 : memref<?x128xf32, #tpu.memory_space<hbm>>) target(%dma_start3A_20 : memref<?x128xf32, #tpu.memory_space<vmem_shared>>) target_semaphore(%arg13 : memref<!tpu.dma_semaphore, #tpu.memory_space<semaphore_mem>>)
    %add3A_23 = arith.constant 320 : i32
    %add3A_24 = arith.addi %mul3A_2, %add3A_23 : i32
    %scan3A = arith.constant 0 : i32
    %scan3A_25 = arith.constant 20000 : i32
    %scan3A_26 = arith.constant 0 : i32
    %scan3A_27 = arith.constant 20000 : i32
    %scan3A_28 = arith.constant 0 : i32
    %scan3A_29 = arith.constant 15 : i32
    %scan3A_30 = arith.addi %scan3A_28, %scan3A_29 : i32
    %scan3A_31 = arith.constant 1 : i32
    %scan3A_32:4 = scf.for %scan3A_359 = %scan3A_28 to %scan3A_30 step %scan3A_31 iter_args(%scan3A_360 = %scan3A, %scan3A_361 = %scan3A_25, %scan3A_362 = %scan3A_26, %scan3A_363 = %scan3A_27) -> (i32, i32, i32, i32)  : i32 {
      %add3A_364 = arith.addi %scan3A_360, %scan3A_361 : i32
      %jit3A_365 = arith.constant 2 : i32
      %div3A_366 = arith.divsi %add3A_364, %jit3A_365 : i32
      %sign3A_367 = arith.constant 0 : i32
      %sign3A_368 = arith.cmpi sgt, %add3A_364, %sign3A_367 : i32
      %sign3A_369 = arith.extui %sign3A_368 : i1 to i32
      %sign3A_370 = arith.constant 0 : i32
      %sign3A_371 = arith.cmpi slt, %add3A_364, %sign3A_370 : i32
      %sign3A_372 = arith.extui %sign3A_371 : i1 to i32
      %sign3A_373 = arith.subi %sign3A_369, %sign3A_372 : i32
      %sign3A_374 = arith.constant 0 : i32
      %sign3A_375 = arith.cmpi sgt, %jit3A_365, %sign3A_374 : i32
      %sign3A_376 = arith.extui %sign3A_375 : i1 to i32
      %sign3A_377 = arith.constant 0 : i32
      %sign3A_378 = arith.cmpi slt, %jit3A_365, %sign3A_377 : i32
      %sign3A_379 = arith.extui %sign3A_378 : i1 to i32
      %sign3A_380 = arith.subi %sign3A_376, %sign3A_379 : i32
      %ne3A_381 = arith.cmpi ne, %sign3A_373, %sign3A_380 : i32
      %rem3A_382 = arith.remsi %add3A_364, %jit3A_365 : i32
      %ne3A_383 = arith.constant 0 : i32
      %ne3A_384 = arith.cmpi ne, %rem3A_382, %ne3A_383 : i32
      %and3A_385 = arith.andi %ne3A_381, %ne3A_384 : i1
      %sub3A_386 = arith.constant 1 : i32
      %sub3A_387 = arith.subi %div3A_366, %sub3A_386 : i32
      %select_n3A_388 = arith.select %and3A_385, %sub3A_387, %div3A_366 : i32
      %add3A_389 = arith.addi %scan3A_362, %scan3A_363 : i32
      %jit3A_390 = arith.constant 2 : i32
      %div3A_391 = arith.divsi %add3A_389, %jit3A_390 : i32
      %sign3A_392 = arith.constant 0 : i32
      %sign3A_393 = arith.cmpi sgt, %add3A_389, %sign3A_392 : i32
      %sign3A_394 = arith.extui %sign3A_393 : i1 to i32
      %sign3A_395 = arith.constant 0 : i32
      %sign3A_396 = arith.cmpi slt, %add3A_389, %sign3A_395 : i32
      %sign3A_397 = arith.extui %sign3A_396 : i1 to i32
      %sign3A_398 = arith.subi %sign3A_394, %sign3A_397 : i32
      %sign3A_399 = arith.constant 0 : i32
      %sign3A_400 = arith.cmpi sgt, %jit3A_390, %sign3A_399 : i32
      %sign3A_401 = arith.extui %sign3A_400 : i1 to i32
      %sign3A_402 = arith.constant 0 : i32
      %sign3A_403 = arith.cmpi slt, %jit3A_390, %sign3A_402 : i32
      %sign3A_404 = arith.extui %sign3A_403 : i1 to i32
      %sign3A_405 = arith.subi %sign3A_401, %sign3A_404 : i32
      %ne3A_406 = arith.cmpi ne, %sign3A_398, %sign3A_405 : i32
      %rem3A_407 = arith.remsi %add3A_389, %jit3A_390 : i32
      %ne3A_408 = arith.constant 0 : i32
      %ne3A_409 = arith.cmpi ne, %rem3A_407, %ne3A_408 : i32
      %and3A_410 = arith.andi %ne3A_406, %ne3A_409 : i1
      %sub3A_411 = arith.constant 1 : i32
      %sub3A_412 = arith.subi %div3A_391, %sub3A_411 : i32
      %select_n3A_413 = arith.select %and3A_410, %sub3A_412, %div3A_391 : i32
      %mul3A_414 = arith.constant 16 : i32
      %mul3A_415 = arith.muli %select_n3A_388, %mul3A_414 : i32
      %dma_start3A_416 = tpu.memref_slice %arg3[%mul3A_415] : memref<320000xi32, #tpu.memory_space<hbm>> -> memref<16xi32, #tpu.memory_space<hbm>>
      %dma_start3A_417 = tpu.memref_slice %arg3[%mul3A_415] : memref<320000xi32, #tpu.memory_space<hbm>> -> memref<16xi32, #tpu.memory_space<hbm>>
      tpu.enqueue_dma source(%dma_start3A_417 : memref<16xi32, #tpu.memory_space<hbm>>) target(%arg8 : memref<16xi32, #tpu.memory_space<vmem>>) target_semaphore(%arg14 : memref<!tpu.dma_semaphore, #tpu.memory_space<semaphore_mem>>)
      %mul3A_418 = arith.constant 16 : i32
      %mul3A_419 = arith.muli %select_n3A_413, %mul3A_418 : i32
      %dma_start3A_420 = tpu.memref_slice %arg3[%mul3A_419] : memref<320000xi32, #tpu.memory_space<hbm>> -> memref<16xi32, #tpu.memory_space<hbm>>
      %dma_start3A_421 = tpu.memref_slice %arg3[%mul3A_419] : memref<320000xi32, #tpu.memory_space<hbm>> -> memref<16xi32, #tpu.memory_space<hbm>>
      tpu.enqueue_dma source(%dma_start3A_421 : memref<16xi32, #tpu.memory_space<hbm>>) target(%arg9 : memref<16xi32, #tpu.memory_space<vmem>>) target_semaphore(%arg14 : memref<!tpu.dma_semaphore, #tpu.memory_space<semaphore_mem>>)
      %mul3A_422 = arith.constant 16 : i32
      %mul3A_423 = arith.muli %select_n3A_388, %mul3A_422 : i32
      %dma_wait3A_424 = tpu.memref_slice %arg3[%mul3A_423] : memref<320000xi32, #tpu.memory_space<hbm>> -> memref<16xi32, #tpu.memory_space<hbm>>
      %dma_wait3A_425 = tpu.memref_slice %arg3[%mul3A_423] : memref<320000xi32, #tpu.memory_space<hbm>> -> memref<16xi32, #tpu.memory_space<hbm>>
      tpu.wait_dma2 semaphore(%arg14 : memref<!tpu.dma_semaphore, #tpu.memory_space<semaphore_mem>>) src(%dma_wait3A_425 : memref<16xi32, #tpu.memory_space<hbm>>) dst(%arg8 : memref<16xi32, #tpu.memory_space<vmem>>)
      %mul3A_426 = arith.constant 16 : i32
      %mul3A_427 = arith.muli %select_n3A_413, %mul3A_426 : i32
      %dma_wait3A_428 = tpu.memref_slice %arg3[%mul3A_427] : memref<320000xi32, #tpu.memory_space<hbm>> -> memref<16xi32, #tpu.memory_space<hbm>>
      %dma_wait3A_429 = tpu.memref_slice %arg3[%mul3A_427] : memref<320000xi32, #tpu.memory_space<hbm>> -> memref<16xi32, #tpu.memory_space<hbm>>
      tpu.wait_dma2 semaphore(%arg14 : memref<!tpu.dma_semaphore, #tpu.memory_space<semaphore_mem>>) src(%dma_wait3A_429 : memref<16xi32, #tpu.memory_space<hbm>>) dst(%arg9 : memref<16xi32, #tpu.memory_space<vmem>>)
      %get3A_430 = arith.constant 0 : index
      %get3A_431 = tpu.vector_load %arg8[%get3A_430] {strides = array<i32>} : memref<16xi32, #tpu.memory_space<vmem>>, vector<16xi32>,
      %get3A_432 = vector.shape_cast %get3A_431 : vector<16xi32> to vector<16xi32>
      %slice3A_433 = vector.extract_strided_slice %get3A_432 {offsets = [0], sizes = [1], strides = [1]} : vector<16xi32> to vector<1xi32>
      %squeeze3A_434 = vector.extract %slice3A_433[0] : i32 from vector<1xi32>
      %lt3A_435 = arith.cmpi slt, %squeeze3A_434, %mul3A_2 : i32
      %get3A_436 = arith.constant 0 : index
      %get3A_437 = tpu.vector_load %arg9[%get3A_436] {strides = array<i32>} : memref<16xi32, #tpu.memory_space<vmem>>, vector<16xi32>,
      %get3A_438 = vector.shape_cast %get3A_437 : vector<16xi32> to vector<16xi32>
      %slice3A_439 = vector.extract_strided_slice %get3A_438 {offsets = [0], sizes = [1], strides = [1]} : vector<16xi32> to vector<1xi32>
      %squeeze3A_440 = vector.extract %slice3A_439[0] : i32 from vector<1xi32>
      %lt3A_441 = arith.cmpi slt, %squeeze3A_440, %add3A_24 : i32
      %select_n3A_442 = arith.select %lt3A_435, %select_n3A_388, %scan3A_360 : i32
      %select_n3A_443 = arith.select %lt3A_435, %scan3A_361, %select_n3A_388 : i32
      %select_n3A_444 = arith.select %lt3A_441, %select_n3A_413, %scan3A_362 : i32
      %select_n3A_445 = arith.select %lt3A_441, %scan3A_363, %select_n3A_413 : i32
      scf.yield %select_n3A_442, %select_n3A_443, %select_n3A_444, %select_n3A_445 : i32, i32, i32, i32
    }
    %scan3A_33 = arith.constant 15 : i32
    %mul3A_34 = arith.constant 16 : i32
    %mul3A_35 = arith.muli %scan3A_32#0, %mul3A_34 : i32
    %dma_start3A_36 = tpu.memref_slice %arg3[%mul3A_35] : memref<320000xi32, #tpu.memory_space<hbm>> -> memref<16xi32, #tpu.memory_space<hbm>>
    %dma_start3A_37 = tpu.memref_slice %arg3[%mul3A_35] : memref<320000xi32, #tpu.memory_space<hbm>> -> memref<16xi32, #tpu.memory_space<hbm>>
    tpu.enqueue_dma source(%dma_start3A_37 : memref<16xi32, #tpu.memory_space<hbm>>) target(%arg8 : memref<16xi32, #tpu.memory_space<vmem>>) target_semaphore(%arg14 : memref<!tpu.dma_semaphore, #tpu.memory_space<semaphore_mem>>)
    %mul3A_38 = arith.constant 16 : i32
    %mul3A_39 = arith.muli %scan3A_32#2, %mul3A_38 : i32
    %dma_start3A_40 = tpu.memref_slice %arg3[%mul3A_39] : memref<320000xi32, #tpu.memory_space<hbm>> -> memref<16xi32, #tpu.memory_space<hbm>>
    %dma_start3A_41 = tpu.memref_slice %arg3[%mul3A_39] : memref<320000xi32, #tpu.memory_space<hbm>> -> memref<16xi32, #tpu.memory_space<hbm>>
    tpu.enqueue_dma source(%dma_start3A_41 : memref<16xi32, #tpu.memory_space<hbm>>) target(%arg9 : memref<16xi32, #tpu.memory_space<vmem>>) target_semaphore(%arg14 : memref<!tpu.dma_semaphore, #tpu.memory_space<semaphore_mem>>)
    %mul3A_42 = arith.constant 16 : i32
    %mul3A_43 = arith.muli %scan3A_32#0, %mul3A_42 : i32
    %dma_wait3A = tpu.memref_slice %arg3[%mul3A_43] : memref<320000xi32, #tpu.memory_space<hbm>> -> memref<16xi32, #tpu.memory_space<hbm>>
    %dma_wait3A_44 = tpu.memref_slice %arg3[%mul3A_43] : memref<320000xi32, #tpu.memory_space<hbm>> -> memref<16xi32, #tpu.memory_space<hbm>>
    tpu.wait_dma2 semaphore(%arg14 : memref<!tpu.dma_semaphore, #tpu.memory_space<semaphore_mem>>) src(%dma_wait3A_44 : memref<16xi32, #tpu.memory_space<hbm>>) dst(%arg8 : memref<16xi32, #tpu.memory_space<vmem>>)
    %mul3A_45 = arith.constant 16 : i32
    %mul3A_46 = arith.muli %scan3A_32#2, %mul3A_45 : i32
    %dma_wait3A_47 = tpu.memref_slice %arg3[%mul3A_46] : memref<320000xi32, #tpu.memory_space<hbm>> -> memref<16xi32, #tpu.memory_space<hbm>>
    %dma_wait3A_48 = tpu.memref_slice %arg3[%mul3A_46] : memref<320000xi32, #tpu.memory_space<hbm>> -> memref<16xi32, #tpu.memory_space<hbm>>
    tpu.wait_dma2 semaphore(%arg14 : memref<!tpu.dma_semaphore, #tpu.memory_space<semaphore_mem>>) src(%dma_wait3A_48 : memref<16xi32, #tpu.memory_space<hbm>>) dst(%arg9 : memref<16xi32, #tpu.memory_space<vmem>>)
    %get3A = arith.constant 0 : index
    %get3A_49 = tpu.vector_load %arg8[%get3A] {strides = array<i32>} : memref<16xi32, #tpu.memory_space<vmem>>, vector<16xi32>,
    %get3A_50 = vector.shape_cast %get3A_49 : vector<16xi32> to vector<16xi32>
    %get3A_51 = arith.constant 0 : index
    %get3A_52 = tpu.vector_load %arg9[%get3A_51] {strides = array<i32>} : memref<16xi32, #tpu.memory_space<vmem>>, vector<16xi32>,
    %get3A_53 = vector.shape_cast %get3A_52 : vector<16xi32> to vector<16xi32>
    %slice3A = vector.extract_strided_slice %get3A_50 {offsets = [0], sizes = [1], strides = [1]} : vector<16xi32> to vector<1xi32>
    %squeeze3A = vector.extract %slice3A[0] : i32 from vector<1xi32>
    %lt3A_54 = arith.cmpi slt, %squeeze3A, %mul3A_2 : i32
    %jit3A_55 = arith.constant 1 : i32
    %jit3A_56 = arith.constant 0 : i32
    %select_n3A_57 = arith.select %lt3A_54, %jit3A_55, %jit3A_56 : i32
    %add3A_58 = arith.constant 0 : i32
    %add3A_59 = arith.addi %add3A_58, %select_n3A_57 : i32
    %slice3A_60 = vector.extract_strided_slice %get3A_53 {offsets = [0], sizes = [1], strides = [1]} : vector<16xi32> to vector<1xi32>
    %squeeze3A_61 = vector.extract %slice3A_60[0] : i32 from vector<1xi32>
    %lt3A_62 = arith.cmpi slt, %squeeze3A_61, %add3A_24 : i32
    %jit3A_63 = arith.constant 1 : i32
    %jit3A_64 = arith.constant 0 : i32
    %select_n3A_65 = arith.select %lt3A_62, %jit3A_63, %jit3A_64 : i32
    %add3A_66 = arith.constant 0 : i32
    %add3A_67 = arith.addi %add3A_66, %select_n3A_65 : i32
    %slice3A_68 = vector.extract_strided_slice %get3A_50 {offsets = [1], sizes = [1], strides = [1]} : vector<16xi32> to vector<1xi32>
    %squeeze3A_69 = vector.extract %slice3A_68[0] : i32 from vector<1xi32>
    %lt3A_70 = arith.cmpi slt, %squeeze3A_69, %mul3A_2 : i32
    %jit3A_71 = arith.constant 1 : i32
    %jit3A_72 = arith.constant 0 : i32
    %select_n3A_73 = arith.select %lt3A_70, %jit3A_71, %jit3A_72 : i32
    %add3A_74 = arith.addi %add3A_59, %select_n3A_73 : i32
    %slice3A_75 = vector.extract_strided_slice %get3A_53 {offsets = [1], sizes = [1], strides = [1]} : vector<16xi32> to vector<1xi32>
    %squeeze3A_76 = vector.extract %slice3A_75[0] : i32 from vector<1xi32>
    %lt3A_77 = arith.cmpi slt, %squeeze3A_76, %add3A_24 : i32
    %jit3A_78 = arith.constant 1 : i32
    %jit3A_79 = arith.constant 0 : i32
    %select_n3A_80 = arith.select %lt3A_77, %jit3A_78, %jit3A_79 : i32
    %add3A_81 = arith.addi %add3A_67, %select_n3A_80 : i32
    %slice3A_82 = vector.extract_strided_slice %get3A_50 {offsets = [2], sizes = [1], strides = [1]} : vector<16xi32> to vector<1xi32>
    %squeeze3A_83 = vector.extract %slice3A_82[0] : i32 from vector<1xi32>
    %lt3A_84 = arith.cmpi slt, %squeeze3A_83, %mul3A_2 : i32
    %jit3A_85 = arith.constant 1 : i32
    %jit3A_86 = arith.constant 0 : i32
    %select_n3A_87 = arith.select %lt3A_84, %jit3A_85, %jit3A_86 : i32
    %add3A_88 = arith.addi %add3A_74, %select_n3A_87 : i32
    %slice3A_89 = vector.extract_strided_slice %get3A_53 {offsets = [2], sizes = [1], strides = [1]} : vector<16xi32> to vector<1xi32>
    %squeeze3A_90 = vector.extract %slice3A_89[0] : i32 from vector<1xi32>
    %lt3A_91 = arith.cmpi slt, %squeeze3A_90, %add3A_24 : i32
    %jit3A_92 = arith.constant 1 : i32
    %jit3A_93 = arith.constant 0 : i32
    %select_n3A_94 = arith.select %lt3A_91, %jit3A_92, %jit3A_93 : i32
    %add3A_95 = arith.addi %add3A_81, %select_n3A_94 : i32
    %slice3A_96 = vector.extract_strided_slice %get3A_50 {offsets = [3], sizes = [1], strides = [1]} : vector<16xi32> to vector<1xi32>
    %squeeze3A_97 = vector.extract %slice3A_96[0] : i32 from vector<1xi32>
    %lt3A_98 = arith.cmpi slt, %squeeze3A_97, %mul3A_2 : i32
    %jit3A_99 = arith.constant 1 : i32
    %jit3A_100 = arith.constant 0 : i32
    %select_n3A_101 = arith.select %lt3A_98, %jit3A_99, %jit3A_100 : i32
    %add3A_102 = arith.addi %add3A_88, %select_n3A_101 : i32
    %slice3A_103 = vector.extract_strided_slice %get3A_53 {offsets = [3], sizes = [1], strides = [1]} : vector<16xi32> to vector<1xi32>
    %squeeze3A_104 = vector.extract %slice3A_103[0] : i32 from vector<1xi32>
    %lt3A_105 = arith.cmpi slt, %squeeze3A_104, %add3A_24 : i32
    %jit3A_106 = arith.constant 1 : i32
    %jit3A_107 = arith.constant 0 : i32
    %select_n3A_108 = arith.select %lt3A_105, %jit3A_106, %jit3A_107 : i32
    %add3A_109 = arith.addi %add3A_95, %select_n3A_108 : i32
    %slice3A_110 = vector.extract_strided_slice %get3A_50 {offsets = [4], sizes = [1], strides = [1]} : vector<16xi32> to vector<1xi32>
    %squeeze3A_111 = vector.extract %slice3A_110[0] : i32 from vector<1xi32>
    %lt3A_112 = arith.cmpi slt, %squeeze3A_111, %mul3A_2 : i32
    %jit3A_113 = arith.constant 1 : i32
    %jit3A_114 = arith.constant 0 : i32
    %select_n3A_115 = arith.select %lt3A_112, %jit3A_113, %jit3A_114 : i32
    %add3A_116 = arith.addi %add3A_102, %select_n3A_115 : i32
    %slice3A_117 = vector.extract_strided_slice %get3A_53 {offsets = [4], sizes = [1], strides = [1]} : vector<16xi32> to vector<1xi32>
    %squeeze3A_118 = vector.extract %slice3A_117[0] : i32 from vector<1xi32>
    %lt3A_119 = arith.cmpi slt, %squeeze3A_118, %add3A_24 : i32
    %jit3A_120 = arith.constant 1 : i32
    %jit3A_121 = arith.constant 0 : i32
    %select_n3A_122 = arith.select %lt3A_119, %jit3A_120, %jit3A_121 : i32
    %add3A_123 = arith.addi %add3A_109, %select_n3A_122 : i32
    %slice3A_124 = vector.extract_strided_slice %get3A_50 {offsets = [5], sizes = [1], strides = [1]} : vector<16xi32> to vector<1xi32>
    %squeeze3A_125 = vector.extract %slice3A_124[0] : i32 from vector<1xi32>
    %lt3A_126 = arith.cmpi slt, %squeeze3A_125, %mul3A_2 : i32
    %jit3A_127 = arith.constant 1 : i32
    %jit3A_128 = arith.constant 0 : i32
    %select_n3A_129 = arith.select %lt3A_126, %jit3A_127, %jit3A_128 : i32
    %add3A_130 = arith.addi %add3A_116, %select_n3A_129 : i32
    %slice3A_131 = vector.extract_strided_slice %get3A_53 {offsets = [5], sizes = [1], strides = [1]} : vector<16xi32> to vector<1xi32>
    %squeeze3A_132 = vector.extract %slice3A_131[0] : i32 from vector<1xi32>
    %lt3A_133 = arith.cmpi slt, %squeeze3A_132, %add3A_24 : i32
    %jit3A_134 = arith.constant 1 : i32
    %jit3A_135 = arith.constant 0 : i32
    %select_n3A_136 = arith.select %lt3A_133, %jit3A_134, %jit3A_135 : i32
    %add3A_137 = arith.addi %add3A_123, %select_n3A_136 : i32
    %slice3A_138 = vector.extract_strided_slice %get3A_50 {offsets = [6], sizes = [1], strides = [1]} : vector<16xi32> to vector<1xi32>
    %squeeze3A_139 = vector.extract %slice3A_138[0] : i32 from vector<1xi32>
    %lt3A_140 = arith.cmpi slt, %squeeze3A_139, %mul3A_2 : i32
    %jit3A_141 = arith.constant 1 : i32
    %jit3A_142 = arith.constant 0 : i32
    %select_n3A_143 = arith.select %lt3A_140, %jit3A_141, %jit3A_142 : i32
    %add3A_144 = arith.addi %add3A_130, %select_n3A_143 : i32
    %slice3A_145 = vector.extract_strided_slice %get3A_53 {offsets = [6], sizes = [1], strides = [1]} : vector<16xi32> to vector<1xi32>
    %squeeze3A_146 = vector.extract %slice3A_145[0] : i32 from vector<1xi32>
    %lt3A_147 = arith.cmpi slt, %squeeze3A_146, %add3A_24 : i32
    %jit3A_148 = arith.constant 1 : i32
    %jit3A_149 = arith.constant 0 : i32
    %select_n3A_150 = arith.select %lt3A_147, %jit3A_148, %jit3A_149 : i32
    %add3A_151 = arith.addi %add3A_137, %select_n3A_150 : i32
    %slice3A_152 = vector.extract_strided_slice %get3A_50 {offsets = [7], sizes = [1], strides = [1]} : vector<16xi32> to vector<1xi32>
    %squeeze3A_153 = vector.extract %slice3A_152[0] : i32 from vector<1xi32>
    %lt3A_154 = arith.cmpi slt, %squeeze3A_153, %mul3A_2 : i32
    %jit3A_155 = arith.constant 1 : i32
    %jit3A_156 = arith.constant 0 : i32
    %select_n3A_157 = arith.select %lt3A_154, %jit3A_155, %jit3A_156 : i32
    %add3A_158 = arith.addi %add3A_144, %select_n3A_157 : i32
    %slice3A_159 = vector.extract_strided_slice %get3A_53 {offsets = [7], sizes = [1], strides = [1]} : vector<16xi32> to vector<1xi32>
    %squeeze3A_160 = vector.extract %slice3A_159[0] : i32 from vector<1xi32>
    %lt3A_161 = arith.cmpi slt, %squeeze3A_160, %add3A_24 : i32
    %jit3A_162 = arith.constant 1 : i32
    %jit3A_163 = arith.constant 0 : i32
    %select_n3A_164 = arith.select %lt3A_161, %jit3A_162, %jit3A_163 : i32
    %add3A_165 = arith.addi %add3A_151, %select_n3A_164 : i32
    %slice3A_166 = vector.extract_strided_slice %get3A_50 {offsets = [8], sizes = [1], strides = [1]} : vector<16xi32> to vector<1xi32>
    %squeeze3A_167 = vector.extract %slice3A_166[0] : i32 from vector<1xi32>
    %lt3A_168 = arith.cmpi slt, %squeeze3A_167, %mul3A_2 : i32
    %jit3A_169 = arith.constant 1 : i32
    %jit3A_170 = arith.constant 0 : i32
    %select_n3A_171 = arith.select %lt3A_168, %jit3A_169, %jit3A_170 : i32
    %add3A_172 = arith.addi %add3A_158, %select_n3A_171 : i32
    %slice3A_173 = vector.extract_strided_slice %get3A_53 {offsets = [8], sizes = [1], strides = [1]} : vector<16xi32> to vector<1xi32>
    %squeeze3A_174 = vector.extract %slice3A_173[0] : i32 from vector<1xi32>
    %lt3A_175 = arith.cmpi slt, %squeeze3A_174, %add3A_24 : i32
    %jit3A_176 = arith.constant 1 : i32
    %jit3A_177 = arith.constant 0 : i32
    %select_n3A_178 = arith.select %lt3A_175, %jit3A_176, %jit3A_177 : i32
    %add3A_179 = arith.addi %add3A_165, %select_n3A_178 : i32
    %slice3A_180 = vector.extract_strided_slice %get3A_50 {offsets = [9], sizes = [1], strides = [1]} : vector<16xi32> to vector<1xi32>
    %squeeze3A_181 = vector.extract %slice3A_180[0] : i32 from vector<1xi32>
    %lt3A_182 = arith.cmpi slt, %squeeze3A_181, %mul3A_2 : i32
    %jit3A_183 = arith.constant 1 : i32
    %jit3A_184 = arith.constant 0 : i32
    %select_n3A_185 = arith.select %lt3A_182, %jit3A_183, %jit3A_184 : i32
    %add3A_186 = arith.addi %add3A_172, %select_n3A_185 : i32
    %slice3A_187 = vector.extract_strided_slice %get3A_53 {offsets = [9], sizes = [1], strides = [1]} : vector<16xi32> to vector<1xi32>
    %squeeze3A_188 = vector.extract %slice3A_187[0] : i32 from vector<1xi32>
    %lt3A_189 = arith.cmpi slt, %squeeze3A_188, %add3A_24 : i32
    %jit3A_190 = arith.constant 1 : i32
    %jit3A_191 = arith.constant 0 : i32
    %select_n3A_192 = arith.select %lt3A_189, %jit3A_190, %jit3A_191 : i32
    %add3A_193 = arith.addi %add3A_179, %select_n3A_192 : i32
    %slice3A_194 = vector.extract_strided_slice %get3A_50 {offsets = [10], sizes = [1], strides = [1]} : vector<16xi32> to vector<1xi32>
    %squeeze3A_195 = vector.extract %slice3A_194[0] : i32 from vector<1xi32>
    %lt3A_196 = arith.cmpi slt, %squeeze3A_195, %mul3A_2 : i32
    %jit3A_197 = arith.constant 1 : i32
    %jit3A_198 = arith.constant 0 : i32
    %select_n3A_199 = arith.select %lt3A_196, %jit3A_197, %jit3A_198 : i32
    %add3A_200 = arith.addi %add3A_186, %select_n3A_199 : i32
    %slice3A_201 = vector.extract_strided_slice %get3A_53 {offsets = [10], sizes = [1], strides = [1]} : vector<16xi32> to vector<1xi32>
    %squeeze3A_202 = vector.extract %slice3A_201[0] : i32 from vector<1xi32>
    %lt3A_203 = arith.cmpi slt, %squeeze3A_202, %add3A_24 : i32
    %jit3A_204 = arith.constant 1 : i32
    %jit3A_205 = arith.constant 0 : i32
    %select_n3A_206 = arith.select %lt3A_203, %jit3A_204, %jit3A_205 : i32
    %add3A_207 = arith.addi %add3A_193, %select_n3A_206 : i32
    %slice3A_208 = vector.extract_strided_slice %get3A_50 {offsets = [11], sizes = [1], strides = [1]} : vector<16xi32> to vector<1xi32>
    %squeeze3A_209 = vector.extract %slice3A_208[0] : i32 from vector<1xi32>
    %lt3A_210 = arith.cmpi slt, %squeeze3A_209, %mul3A_2 : i32
    %jit3A_211 = arith.constant 1 : i32
    %jit3A_212 = arith.constant 0 : i32
    %select_n3A_213 = arith.select %lt3A_210, %jit3A_211, %jit3A_212 : i32
    %add3A_214 = arith.addi %add3A_200, %select_n3A_213 : i32
    %slice3A_215 = vector.extract_strided_slice %get3A_53 {offsets = [11], sizes = [1], strides = [1]} : vector<16xi32> to vector<1xi32>
    %squeeze3A_216 = vector.extract %slice3A_215[0] : i32 from vector<1xi32>
    %lt3A_217 = arith.cmpi slt, %squeeze3A_216, %add3A_24 : i32
    %jit3A_218 = arith.constant 1 : i32
    %jit3A_219 = arith.constant 0 : i32
    %select_n3A_220 = arith.select %lt3A_217, %jit3A_218, %jit3A_219 : i32
    %add3A_221 = arith.addi %add3A_207, %select_n3A_220 : i32
    %slice3A_222 = vector.extract_strided_slice %get3A_50 {offsets = [12], sizes = [1], strides = [1]} : vector<16xi32> to vector<1xi32>
    %squeeze3A_223 = vector.extract %slice3A_222[0] : i32 from vector<1xi32>
    %lt3A_224 = arith.cmpi slt, %squeeze3A_223, %mul3A_2 : i32
    %jit3A_225 = arith.constant 1 : i32
    %jit3A_226 = arith.constant 0 : i32
    %select_n3A_227 = arith.select %lt3A_224, %jit3A_225, %jit3A_226 : i32
    %add3A_228 = arith.addi %add3A_214, %select_n3A_227 : i32
    %slice3A_229 = vector.extract_strided_slice %get3A_53 {offsets = [12], sizes = [1], strides = [1]} : vector<16xi32> to vector<1xi32>
    %squeeze3A_230 = vector.extract %slice3A_229[0] : i32 from vector<1xi32>
    %lt3A_231 = arith.cmpi slt, %squeeze3A_230, %add3A_24 : i32
    %jit3A_232 = arith.constant 1 : i32
    %jit3A_233 = arith.constant 0 : i32
    %select_n3A_234 = arith.select %lt3A_231, %jit3A_232, %jit3A_233 : i32
    %add3A_235 = arith.addi %add3A_221, %select_n3A_234 : i32
    %slice3A_236 = vector.extract_strided_slice %get3A_50 {offsets = [13], sizes = [1], strides = [1]} : vector<16xi32> to vector<1xi32>
    %squeeze3A_237 = vector.extract %slice3A_236[0] : i32 from vector<1xi32>
    %lt3A_238 = arith.cmpi slt, %squeeze3A_237, %mul3A_2 : i32
    %jit3A_239 = arith.constant 1 : i32
    %jit3A_240 = arith.constant 0 : i32
    %select_n3A_241 = arith.select %lt3A_238, %jit3A_239, %jit3A_240 : i32
    %add3A_242 = arith.addi %add3A_228, %select_n3A_241 : i32
    %slice3A_243 = vector.extract_strided_slice %get3A_53 {offsets = [13], sizes = [1], strides = [1]} : vector<16xi32> to vector<1xi32>
    %squeeze3A_244 = vector.extract %slice3A_243[0] : i32 from vector<1xi32>
    %lt3A_245 = arith.cmpi slt, %squeeze3A_244, %add3A_24 : i32
    %jit3A_246 = arith.constant 1 : i32
    %jit3A_247 = arith.constant 0 : i32
    %select_n3A_248 = arith.select %lt3A_245, %jit3A_246, %jit3A_247 : i32
    %add3A_249 = arith.addi %add3A_235, %select_n3A_248 : i32
    %slice3A_250 = vector.extract_strided_slice %get3A_50 {offsets = [14], sizes = [1], strides = [1]} : vector<16xi32> to vector<1xi32>
    %squeeze3A_251 = vector.extract %slice3A_250[0] : i32 from vector<1xi32>
    %lt3A_252 = arith.cmpi slt, %squeeze3A_251, %mul3A_2 : i32
    %jit3A_253 = arith.constant 1 : i32
    %jit3A_254 = arith.constant 0 : i32
    %select_n3A_255 = arith.select %lt3A_252, %jit3A_253, %jit3A_254 : i32
    %add3A_256 = arith.addi %add3A_242, %select_n3A_255 : i32
    %slice3A_257 = vector.extract_strided_slice %get3A_53 {offsets = [14], sizes = [1], strides = [1]} : vector<16xi32> to vector<1xi32>
    %squeeze3A_258 = vector.extract %slice3A_257[0] : i32 from vector<1xi32>
    %lt3A_259 = arith.cmpi slt, %squeeze3A_258, %add3A_24 : i32
    %jit3A_260 = arith.constant 1 : i32
    %jit3A_261 = arith.constant 0 : i32
    %select_n3A_262 = arith.select %lt3A_259, %jit3A_260, %jit3A_261 : i32
    %add3A_263 = arith.addi %add3A_249, %select_n3A_262 : i32
    %slice3A_264 = vector.extract_strided_slice %get3A_50 {offsets = [15], sizes = [1], strides = [1]} : vector<16xi32> to vector<1xi32>
    %squeeze3A_265 = vector.extract %slice3A_264[0] : i32 from vector<1xi32>
    %lt3A_266 = arith.cmpi slt, %squeeze3A_265, %mul3A_2 : i32
    %jit3A_267 = arith.constant 1 : i32
    %jit3A_268 = arith.constant 0 : i32
    %select_n3A_269 = arith.select %lt3A_266, %jit3A_267, %jit3A_268 : i32
    %add3A_270 = arith.addi %add3A_256, %select_n3A_269 : i32
    %slice3A_271 = vector.extract_strided_slice %get3A_53 {offsets = [15], sizes = [1], strides = [1]} : vector<16xi32> to vector<1xi32>
    %squeeze3A_272 = vector.extract %slice3A_271[0] : i32 from vector<1xi32>
    %lt3A_273 = arith.cmpi slt, %squeeze3A_272, %add3A_24 : i32
    %jit3A_274 = arith.constant 1 : i32
    %jit3A_275 = arith.constant 0 : i32
    %select_n3A_276 = arith.select %lt3A_273, %jit3A_274, %jit3A_275 : i32
    %add3A_277 = arith.addi %add3A_263, %select_n3A_276 : i32
    %mul3A_278 = arith.constant 16 : i32
    %mul3A_279 = arith.muli %scan3A_32#0, %mul3A_278 : i32
    %add3A_280 = arith.addi %mul3A_279, %add3A_270 : i32
    %mul3A_281 = arith.constant 16 : i32
    %mul3A_282 = arith.muli %scan3A_32#2, %mul3A_281 : i32
    %add3A_283 = arith.addi %mul3A_282, %add3A_277 : i32
    %dma_wait3A_284 = arith.constant 0 : i32
    %dma_wait3A_285 = tpu.memref_slice %arg10[%mul3A_4, %dma_wait3A_284] <%min3A_6> : memref<5128x128xf32, #tpu.memory_space<vmem_shared>> -> memref<?x128xf32, #tpu.memory_space<vmem_shared>>
    %dma_wait3A_286 = arith.constant 0 : i32
    %dma_wait3A_287 = tpu.memref_slice %arg4[%mul3A_2, %dma_wait3A_286] <%min3A_6> : memref<10000x128xf32, #tpu.memory_space<hbm>> -> memref<?x128xf32, #tpu.memory_space<hbm>>
    tpu.wait_dma2 semaphore(%arg13 : memref<!tpu.dma_semaphore, #tpu.memory_space<semaphore_mem>>) src(%dma_wait3A_287 : memref<?x128xf32, #tpu.memory_space<hbm>>) dst(%dma_wait3A_285 : memref<?x128xf32, #tpu.memory_space<vmem_shared>>)
    %jit3A_288 = arith.constant 8 : i32
    %div3A = arith.divsi %add3A_280, %jit3A_288 : i32
    %sign3A = arith.constant 0 : i32
    %sign3A_289 = arith.cmpi sgt, %add3A_280, %sign3A : i32
    %sign3A_290 = arith.extui %sign3A_289 : i1 to i32
    %sign3A_291 = arith.constant 0 : i32
    %sign3A_292 = arith.cmpi slt, %add3A_280, %sign3A_291 : i32
    %sign3A_293 = arith.extui %sign3A_292 : i1 to i32
    %sign3A_294 = arith.subi %sign3A_290, %sign3A_293 : i32
    %sign3A_295 = arith.constant 0 : i32
    %sign3A_296 = arith.cmpi sgt, %jit3A_288, %sign3A_295 : i32
    %sign3A_297 = arith.extui %sign3A_296 : i1 to i32
    %sign3A_298 = arith.constant 0 : i32
    %sign3A_299 = arith.cmpi slt, %jit3A_288, %sign3A_298 : i32
    %sign3A_300 = arith.extui %sign3A_299 : i1 to i32
    %sign3A_301 = arith.subi %sign3A_297, %sign3A_300 : i32
    %ne3A_302 = arith.cmpi ne, %sign3A_294, %sign3A_301 : i32
    %rem3A_303 = arith.remsi %add3A_280, %jit3A_288 : i32
    %ne3A_304 = arith.constant 0 : i32
    %ne3A_305 = arith.cmpi ne, %rem3A_303, %ne3A_304 : i32
    %and3A_306 = arith.andi %ne3A_302, %ne3A_305 : i1
    %sub3A_307 = arith.constant 1 : i32
    %sub3A_308 = arith.subi %div3A, %sub3A_307 : i32
    %select_n3A_309 = arith.select %and3A_306, %sub3A_308, %div3A : i32
    %mul3A_310 = arith.constant 8 : i32
    %mul3A_311 = arith.muli %select_n3A_309, %mul3A_310 : i32
    %sub3A_312 = arith.subi %add3A_283, %mul3A_311 : i32
    %add3A_313 = arith.constant 256 : i32
    %add3A_314 = arith.addi %sub3A_312, %add3A_313 : i32
    %sub3A_315 = arith.constant 1 : i32
    %sub3A_316 = arith.subi %add3A_314, %sub3A_315 : i32
    %jit3A_317 = arith.constant 256 : i32
    %div3A_318 = arith.divsi %sub3A_316, %jit3A_317 : i32
    %sign3A_319 = arith.constant 0 : i32
    %sign3A_320 = arith.cmpi sgt, %sub3A_316, %sign3A_319 : i32
    %sign3A_321 = arith.extui %sign3A_320 : i1 to i32
    %sign3A_322 = arith.constant 0 : i32
    %sign3A_323 = arith.cmpi slt, %sub3A_316, %sign3A_322 : i32
    %sign3A_324 = arith.extui %sign3A_323 : i1 to i32
    %sign3A_325 = arith.subi %sign3A_321, %sign3A_324 : i32
    %sign3A_326 = arith.constant 0 : i32
    %sign3A_327 = arith.cmpi sgt, %jit3A_317, %sign3A_326 : i32
    %sign3A_328 = arith.extui %sign3A_327 : i1 to i32
    %sign3A_329 = arith.constant 0 : i32
    %sign3A_330 = arith.cmpi slt, %jit3A_317, %sign3A_329 : i32
    %sign3A_331 = arith.extui %sign3A_330 : i1 to i32
    %sign3A_332 = arith.subi %sign3A_328, %sign3A_331 : i32
    %ne3A_333 = arith.cmpi ne, %sign3A_325, %sign3A_332 : i32
    %rem3A_334 = arith.remsi %sub3A_316, %jit3A_317 : i32
    %ne3A_335 = arith.constant 0 : i32
    %ne3A_336 = arith.cmpi ne, %rem3A_334, %ne3A_335 : i32
    %and3A_337 = arith.andi %ne3A_333, %ne3A_336 : i1
    %sub3A_338 = arith.constant 1 : i32
    %sub3A_339 = arith.subi %div3A_318, %sub3A_338 : i32
    %select_n3A_340 = arith.select %and3A_337, %sub3A_339, %div3A_318 : i32
    %gt3A = arith.constant 0 : i32
    %gt3A_341 = arith.cmpi sgt, %select_n3A_340, %gt3A : i32
    %convert_element_type3A = arith.extui %gt3A_341 : i1 to i32
    %cond3A = arith.constant 0 : i32
    %cond3A_342 = arith.cmpi ne, %convert_element_type3A, %cond3A : i32
    scf.if %cond3A_342 {
      %add3A_359 = arith.constant 0 : i32
      %add3A_360 = arith.addi %mul3A_311, %add3A_359 : i32
      %min3A_361 = arith.constant 319744 : i32
      %min3A_362 = arith.minsi %add3A_360, %min3A_361 : i32
      %dma_start3A_363 = arith.constant 0 : i32
      %dma_start3A_364 = arith.constant 0 : i32
      %dma_start3A_365 = arith.constant 0 : i32
      %dma_start3A_366 = tpu.memref_slice %arg6[%dma_start3A_363, %dma_start3A_364, %dma_start3A_365] : memref<2x256x128xf32, #tpu.memory_space<vmem>> -> memref<1x256x128xf32, #tpu.memory_space<vmem>>
      %dma_start3A_367 = tpu.memref_squeeze %dma_start3A_366 : memref<1x256x128xf32, #tpu.memory_space<vmem>> -> memref<256x128xf32, #tpu.memory_space<vmem>>
      %dma_start3A_368 = arith.constant 0 : i32
      %dma_start3A_369 = tpu.memref_slice %arg2[%min3A_362, %dma_start3A_368] : memref<320000x128xf32, #tpu.memory_space<hbm>> -> memref<256x128xf32, #tpu.memory_space<hbm>>
      %dma_start3A_370 = arith.constant 0 : i32
      %dma_start3A_371 = arith.constant 0 : i32
      %dma_start3A_372 = tpu.memref_slice %arg6[%dma_start3A_363, %dma_start3A_370, %dma_start3A_371] : memref<2x256x128xf32, #tpu.memory_space<vmem>> -> memref<1x256x128xf32, #tpu.memory_space<vmem>>
      %dma_start3A_373 = tpu.memref_squeeze %dma_start3A_372 : memref<1x256x128xf32, #tpu.memory_space<vmem>> -> memref<256x128xf32, #tpu.memory_space<vmem>>
      %dma_start3A_374 = arith.constant 0 : i32
      %dma_start3A_375 = tpu.memref_slice %arg2[%min3A_362, %dma_start3A_374] : memref<320000x128xf32, #tpu.memory_space<hbm>> -> memref<256x128xf32, #tpu.memory_space<hbm>>
      tpu.enqueue_dma source(%dma_start3A_375 : memref<256x128xf32, #tpu.memory_space<hbm>>) target(%dma_start3A_373 : memref<256x128xf32, #tpu.memory_space<vmem>>) target_semaphore(%arg11 : memref<!tpu.dma_semaphore, #tpu.memory_space<semaphore_mem>>)
      %add3A_376 = arith.constant 0 : i32
      %add3A_377 = arith.addi %min3A_362, %add3A_376 : i32
      %dma_start3A_378 = arith.constant 0 : i32
      %dma_start3A_379 = arith.constant 0 : i32
      %dma_start3A_380 = arith.constant 0 : i32
      %dma_start3A_381 = tpu.memref_slice %arg7[%dma_start3A_378, %dma_start3A_379, %dma_start3A_380] : memref<2x2x128xi32, #tpu.memory_space<vmem>> -> memref<1x1x128xi32, #tpu.memory_space<vmem>>
      %dma_start3A_382 = tpu.memref_squeeze %dma_start3A_381 : memref<1x1x128xi32, #tpu.memory_space<vmem>> -> memref<128xi32, #tpu.memory_space<vmem>>
      %dma_start3A_383 = tpu.memref_slice %arg3[%add3A_377] : memref<320000xi32, #tpu.memory_space<hbm>> -> memref<128xi32, #tpu.memory_space<hbm>>
      %dma_start3A_384 = arith.constant 0 : i32
      %dma_start3A_385 = tpu.memref_slice %arg7[%dma_start3A_378, %dma_start3A_379, %dma_start3A_384] : memref<2x2x128xi32, #tpu.memory_space<vmem>> -> memref<1x1x128xi32, #tpu.memory_space<vmem>>
      %dma_start3A_386 = tpu.memref_squeeze %dma_start3A_385 : memref<1x1x128xi32, #tpu.memory_space<vmem>> -> memref<128xi32, #tpu.memory_space<vmem>>
      %dma_start3A_387 = tpu.memref_slice %arg3[%add3A_377] : memref<320000xi32, #tpu.memory_space<hbm>> -> memref<128xi32, #tpu.memory_space<hbm>>
      tpu.enqueue_dma source(%dma_start3A_387 : memref<128xi32, #tpu.memory_space<hbm>>) target(%dma_start3A_386 : memref<128xi32, #tpu.memory_space<vmem>>) target_semaphore(%arg11 : memref<!tpu.dma_semaphore, #tpu.memory_space<semaphore_mem>>)
      %add3A_388 = arith.constant 128 : i32
      %add3A_389 = arith.addi %min3A_362, %add3A_388 : i32
      %dma_start3A_390 = arith.constant 0 : i32
      %dma_start3A_391 = arith.constant 1 : i32
      %dma_start3A_392 = arith.constant 0 : i32
      %dma_start3A_393 = tpu.memref_slice %arg7[%dma_start3A_390, %dma_start3A_391, %dma_start3A_392] : memref<2x2x128xi32, #tpu.memory_space<vmem>> -> memref<1x1x128xi32, #tpu.memory_space<vmem>>
      %dma_start3A_394 = tpu.memref_squeeze %dma_start3A_393 : memref<1x1x128xi32, #tpu.memory_space<vmem>> -> memref<128xi32, #tpu.memory_space<vmem>>
      %dma_start3A_395 = tpu.memref_slice %arg3[%add3A_389] : memref<320000xi32, #tpu.memory_space<hbm>> -> memref<128xi32, #tpu.memory_space<hbm>>
      %dma_start3A_396 = arith.constant 0 : i32
      %dma_start3A_397 = tpu.memref_slice %arg7[%dma_start3A_390, %dma_start3A_391, %dma_start3A_396] : memref<2x2x128xi32, #tpu.memory_space<vmem>> -> memref<1x1x128xi32, #tpu.memory_space<vmem>>
      %dma_start3A_398 = tpu.memref_squeeze %dma_start3A_397 : memref<1x1x128xi32, #tpu.memory_space<vmem>> -> memref<128xi32, #tpu.memory_space<vmem>>
      %dma_start3A_399 = tpu.memref_slice %arg3[%add3A_389] : memref<320000xi32, #tpu.memory_space<hbm>> -> memref<128xi32, #tpu.memory_space<hbm>>
      tpu.enqueue_dma source(%dma_start3A_399 : memref<128xi32, #tpu.memory_space<hbm>>) target(%dma_start3A_398 : memref<128xi32, #tpu.memory_space<vmem>>) target_semaphore(%arg11 : memref<!tpu.dma_semaphore, #tpu.memory_space<semaphore_mem>>)
    } else {
    }
    %iota3A = tpu.iota {dimensions = array<i32: 0>} : vector<16xi32>
    %while3A = arith.constant 0 : i32
    %while3A_343 = arith.constant 0 : i32
    %while3A_344 = arith.subi %select_n3A_340, %while3A : i32
    %while3A_345 = arith.addi %while3A, %while3A_344 : i32
    %while3A_346 = arith.constant 1 : i32
    %while3A_347 = arith.divsi %while3A_344, %while3A_346 : i32
    %while3A_348 = arith.muli %while3A_347, %while3A_346 : i32
    %while3A_349 = arith.addi %while3A, %while3A_348 : i32
    %while3A_350 = arith.constant 1 : i32
    %while3A_351 = scf.for %while3A_359 = %while3A to %while3A_349 step %while3A_350 iter_args(%while3A_360 = %while3A_343) -> (i32)  : i32 {
      %jit3A_361 = arith.constant 2 : i32
      %eq3A_362 = arith.constant 0 : i32
      %eq3A_363 = arith.cmpi eq, %jit3A_361, %eq3A_362 : i32
      %jit3A_364 = arith.constant 1 : i32
      %select_n3A_365 = arith.select %eq3A_363, %jit3A_364, %jit3A_361 : i32
      %rem3A_366 = arith.remsi %while3A_359, %select_n3A_365 : i32
      %ne3A_367 = arith.constant 0 : i32
      %ne3A_368 = arith.cmpi ne, %rem3A_366, %ne3A_367 : i32
      %lt3A_369 = arith.constant 0 : i32
      %lt3A_370 = arith.cmpi slt, %rem3A_366, %lt3A_369 : i32
      %lt3A_371 = arith.constant 0 : i32
      %lt3A_372 = arith.cmpi slt, %select_n3A_365, %lt3A_371 : i32
      %ne3A_373 = arith.xori %lt3A_370, %lt3A_372 : i1
      %and3A_374 = arith.andi %ne3A_373, %ne3A_368 : i1
      %add3A_375 = arith.addi %rem3A_366, %select_n3A_365 : i32
      %select_n3A_376 = arith.select %and3A_374, %add3A_375, %rem3A_366 : i32
      %mul3A_377 = arith.constant 256 : i32
      %mul3A_378 = arith.muli %while3A_359, %mul3A_377 : i32
      %add3A_379 = arith.addi %mul3A_311, %mul3A_378 : i32
      %min3A_380 = arith.constant 319744 : i32
      %min3A_381 = arith.minsi %add3A_379, %min3A_380 : i32
      %dma_wait3A_382 = arith.constant 0 : i32
      %dma_wait3A_383 = arith.constant 0 : i32
      %dma_wait3A_384 = tpu.memref_slice %arg6[%select_n3A_376, %dma_wait3A_382, %dma_wait3A_383] : memref<2x256x128xf32, #tpu.memory_space<vmem>> -> memref<1x256x128xf32, #tpu.memory_space<vmem>>
      %dma_wait3A_385 = tpu.memref_squeeze %dma_wait3A_384 : memref<1x256x128xf32, #tpu.memory_space<vmem>> -> memref<256x128xf32, #tpu.memory_space<vmem>>
      %dma_wait3A_386 = arith.constant 0 : i32
      %dma_wait3A_387 = tpu.memref_slice %arg2[%min3A_381, %dma_wait3A_386] : memref<320000x128xf32, #tpu.memory_space<hbm>> -> memref<256x128xf32, #tpu.memory_space<hbm>>
      %dma_wait3A_388 = arith.constant 0 : i32
      %dma_wait3A_389 = arith.constant 0 : i32
      %dma_wait3A_390 = tpu.memref_slice %arg6[%select_n3A_376, %dma_wait3A_388, %dma_wait3A_389] : memref<2x256x128xf32, #tpu.memory_space<vmem>> -> memref<1x256x128xf32, #tpu.memory_space<vmem>>
      %dma_wait3A_391 = tpu.memref_squeeze %dma_wait3A_390 : memref<1x256x128xf32, #tpu.memory_space<vmem>> -> memref<256x128xf32, #tpu.memory_space<vmem>>
      %dma_wait3A_392 = arith.constant 0 : i32
      %dma_wait3A_393 = tpu.memref_slice %arg2[%min3A_381, %dma_wait3A_392] : memref<320000x128xf32, #tpu.memory_space<hbm>> -> memref<256x128xf32, #tpu.memory_space<hbm>>
      tpu.wait_dma2 semaphore(%arg11 : memref<!tpu.dma_semaphore, #tpu.memory_space<semaphore_mem>>) src(%dma_wait3A_393 : memref<256x128xf32, #tpu.memory_space<hbm>>) dst(%dma_wait3A_391 : memref<256x128xf32, #tpu.memory_space<vmem>>)
      %add3A_394 = arith.constant 0 : i32
      %add3A_395 = arith.addi %min3A_381, %add3A_394 : i32
      %dma_wait3A_396 = arith.constant 0 : i32
      %dma_wait3A_397 = arith.constant 0 : i32
      %dma_wait3A_398 = tpu.memref_slice %arg7[%select_n3A_376, %dma_wait3A_396, %dma_wait3A_397] : memref<2x2x128xi32, #tpu.memory_space<vmem>> -> memref<1x1x128xi32, #tpu.memory_space<vmem>>
      %dma_wait3A_399 = tpu.memref_squeeze %dma_wait3A_398 : memref<1x1x128xi32, #tpu.memory_space<vmem>> -> memref<128xi32, #tpu.memory_space<vmem>>
      %dma_wait3A_400 = tpu.memref_slice %arg3[%add3A_395] : memref<320000xi32, #tpu.memory_space<hbm>> -> memref<128xi32, #tpu.memory_space<hbm>>
      %dma_wait3A_401 = arith.constant 0 : i32
      %dma_wait3A_402 = tpu.memref_slice %arg7[%select_n3A_376, %dma_wait3A_396, %dma_wait3A_401] : memref<2x2x128xi32, #tpu.memory_space<vmem>> -> memref<1x1x128xi32, #tpu.memory_space<vmem>>
      %dma_wait3A_403 = tpu.memref_squeeze %dma_wait3A_402 : memref<1x1x128xi32, #tpu.memory_space<vmem>> -> memref<128xi32, #tpu.memory_space<vmem>>
      %dma_wait3A_404 = tpu.memref_slice %arg3[%add3A_395] : memref<320000xi32, #tpu.memory_space<hbm>> -> memref<128xi32, #tpu.memory_space<hbm>>
      tpu.wait_dma2 semaphore(%arg11 : memref<!tpu.dma_semaphore, #tpu.memory_space<semaphore_mem>>) src(%dma_wait3A_404 : memref<128xi32, #tpu.memory_space<hbm>>) dst(%dma_wait3A_403 : memref<128xi32, #tpu.memory_space<vmem>>)
      %add3A_405 = arith.constant 128 : i32
      %add3A_406 = arith.addi %min3A_381, %add3A_405 : i32
      %dma_wait3A_407 = arith.constant 1 : i32
      %dma_wait3A_408 = arith.constant 0 : i32
      %dma_wait3A_409 = tpu.memref_slice %arg7[%select_n3A_376, %dma_wait3A_407, %dma_wait3A_408] : memref<2x2x128xi32, #tpu.memory_space<vmem>> -> memref<1x1x128xi32, #tpu.memory_space<vmem>>
      %dma_wait3A_410 = tpu.memref_squeeze %dma_wait3A_409 : memref<1x1x128xi32, #tpu.memory_space<vmem>> -> memref<128xi32, #tpu.memory_space<vmem>>
      %dma_wait3A_411 = tpu.memref_slice %arg3[%add3A_406] : memref<320000xi32, #tpu.memory_space<hbm>> -> memref<128xi32, #tpu.memory_space<hbm>>
      %dma_wait3A_412 = arith.constant 0 : i32
      %dma_wait3A_413 = tpu.memref_slice %arg7[%select_n3A_376, %dma_wait3A_407, %dma_wait3A_412] : memref<2x2x128xi32, #tpu.memory_space<vmem>> -> memref<1x1x128xi32, #tpu.memory_space<vmem>>
      %dma_wait3A_414 = tpu.memref_squeeze %dma_wait3A_413 : memref<1x1x128xi32, #tpu.memory_space<vmem>> -> memref<128xi32, #tpu.memory_space<vmem>>
      %dma_wait3A_415 = tpu.memref_slice %arg3[%add3A_406] : memref<320000xi32, #tpu.memory_space<hbm>> -> memref<128xi32, #tpu.memory_space<hbm>>
      tpu.wait_dma2 semaphore(%arg11 : memref<!tpu.dma_semaphore, #tpu.memory_space<semaphore_mem>>) src(%dma_wait3A_415 : memref<128xi32, #tpu.memory_space<hbm>>) dst(%dma_wait3A_414 : memref<128xi32, #tpu.memory_space<vmem>>)
      %ge3A = arith.constant 1 : i32
      %ge3A_416 = arith.cmpi sge, %while3A_359, %ge3A : i32
      %convert_element_type3A_417 = arith.extui %ge3A_416 : i1 to i32
      %cond3A_418 = arith.constant 0 : i32
      %cond3A_419 = arith.cmpi ne, %convert_element_type3A_417, %cond3A_418 : i32
      scf.if %cond3A_419 {
        %sub3A_468 = arith.constant 1 : i32
        %sub3A_469 = arith.subi %sub3A_468, %select_n3A_376 : i32
        %dma_wait3A_470 = arith.constant 0 : i32
        %dma_wait3A_471 = arith.constant 0 : i32
        %dma_wait3A_472 = arith.constant 0 : i32
        %dma_wait3A_473 = tpu.memref_slice %arg6[%sub3A_469, %dma_wait3A_471, %dma_wait3A_472] : memref<2x256x128xf32, #tpu.memory_space<vmem>> -> memref<1x128x128xf32, #tpu.memory_space<vmem>>
        %dma_wait3A_474 = tpu.memref_squeeze %dma_wait3A_473 : memref<1x128x128xf32, #tpu.memory_space<vmem>> -> memref<128x128xf32, #tpu.memory_space<vmem>>
        %dma_wait3A_475 = arith.constant 0 : i32
        %dma_wait3A_476 = tpu.memref_slice %arg7[%sub3A_469, %dma_wait3A_470, %dma_wait3A_475] : memref<2x2x128xi32, #tpu.memory_space<vmem>> -> memref<1x1x128xi32, #tpu.memory_space<vmem>>
        %dma_wait3A_477 = tpu.memref_squeeze %dma_wait3A_476 : memref<1x1x128xi32, #tpu.memory_space<vmem>> -> memref<128xi32, #tpu.memory_space<vmem>>
        %dma_wait3A_478 = arith.constant 0 : i32
        %dma_wait3A_479 = arith.constant 0 : i32
        %dma_wait3A_480 = tpu.memref_slice %arg10[%dma_wait3A_478, %dma_wait3A_479] : memref<5128x128xf32, #tpu.memory_space<vmem_shared>> -> memref<5128x128xf32, #tpu.memory_space<vmem_shared>>
        tpu.wait_indirect_dma semaphore(%arg12 : memref<!tpu.dma_semaphore, #tpu.memory_space<semaphore_mem>>) src(%dma_wait3A_474 : memref<128x128xf32, #tpu.memory_space<vmem>>) dst(%dma_wait3A_480 : memref<5128x128xf32, #tpu.memory_space<vmem_shared>>)
        %dma_wait3A_481 = arith.constant 1 : i32
        %dma_wait3A_482 = arith.constant 128 : i32
        %dma_wait3A_483 = arith.constant 0 : i32
        %dma_wait3A_484 = tpu.memref_slice %arg6[%sub3A_469, %dma_wait3A_482, %dma_wait3A_483] : memref<2x256x128xf32, #tpu.memory_space<vmem>> -> memref<1x128x128xf32, #tpu.memory_space<vmem>>
        %dma_wait3A_485 = tpu.memref_squeeze %dma_wait3A_484 : memref<1x128x128xf32, #tpu.memory_space<vmem>> -> memref<128x128xf32, #tpu.memory_space<vmem>>
        %dma_wait3A_486 = arith.constant 0 : i32
        %dma_wait3A_487 = tpu.memref_slice %arg7[%sub3A_469, %dma_wait3A_481, %dma_wait3A_486] : memref<2x2x128xi32, #tpu.memory_space<vmem>> -> memref<1x1x128xi32, #tpu.memory_space<vmem>>
        %dma_wait3A_488 = tpu.memref_squeeze %dma_wait3A_487 : memref<1x1x128xi32, #tpu.memory_space<vmem>> -> memref<128xi32, #tpu.memory_space<vmem>>
        %dma_wait3A_489 = arith.constant 0 : i32
        %dma_wait3A_490 = arith.constant 0 : i32
        %dma_wait3A_491 = tpu.memref_slice %arg10[%dma_wait3A_489, %dma_wait3A_490] : memref<5128x128xf32, #tpu.memory_space<vmem_shared>> -> memref<5128x128xf32, #tpu.memory_space<vmem_shared>>
        tpu.wait_indirect_dma semaphore(%arg12 : memref<!tpu.dma_semaphore, #tpu.memory_space<semaphore_mem>>) src(%dma_wait3A_485 : memref<128x128xf32, #tpu.memory_space<vmem>>) dst(%dma_wait3A_491 : memref<5128x128xf32, #tpu.memory_space<vmem_shared>>)
      } else {
      }
      %add3A_420 = arith.constant 1 : i32
      %add3A_421 = arith.addi %while3A_359, %add3A_420 : i32
      %lt3A_422 = arith.cmpi slt, %add3A_421, %select_n3A_340 : i32
      %convert_element_type3A_423 = arith.extui %lt3A_422 : i1 to i32
      %cond3A_424 = arith.constant 0 : i32
      %cond3A_425 = arith.cmpi ne, %convert_element_type3A_423, %cond3A_424 : i32
      scf.if %cond3A_425 {
        %add3A_468 = arith.constant 1 : i32
        %add3A_469 = arith.addi %while3A_359, %add3A_468 : i32
        %sub3A_470 = arith.constant 1 : i32
        %sub3A_471 = arith.subi %sub3A_470, %select_n3A_376 : i32
        %mul3A_472 = arith.constant 256 : i32
        %mul3A_473 = arith.muli %add3A_469, %mul3A_472 : i32
        %add3A_474 = arith.addi %mul3A_311, %mul3A_473 : i32
        %min3A_475 = arith.constant 319744 : i32
        %min3A_476 = arith.minsi %add3A_474, %min3A_475 : i32
        %dma_start3A_477 = arith.constant 0 : i32
        %dma_start3A_478 = arith.constant 0 : i32
        %dma_start3A_479 = tpu.memref_slice %arg6[%sub3A_471, %dma_start3A_477, %dma_start3A_478] : memref<2x256x128xf32, #tpu.memory_space<vmem>> -> memref<1x256x128xf32, #tpu.memory_space<vmem>>
        %dma_start3A_480 = tpu.memref_squeeze %dma_start3A_479 : memref<1x256x128xf32, #tpu.memory_space<vmem>> -> memref<256x128xf32, #tpu.memory_space<vmem>>
        %dma_start3A_481 = arith.constant 0 : i32
        %dma_start3A_482 = tpu.memref_slice %arg2[%min3A_476, %dma_start3A_481] : memref<320000x128xf32, #tpu.memory_space<hbm>> -> memref<256x128xf32, #tpu.memory_space<hbm>>
        %dma_start3A_483 = arith.constant 0 : i32
        %dma_start3A_484 = arith.constant 0 : i32
        %dma_start3A_485 = tpu.memref_slice %arg6[%sub3A_471, %dma_start3A_483, %dma_start3A_484] : memref<2x256x128xf32, #tpu.memory_space<vmem>> -> memref<1x256x128xf32, #tpu.memory_space<vmem>>
        %dma_start3A_486 = tpu.memref_squeeze %dma_start3A_485 : memref<1x256x128xf32, #tpu.memory_space<vmem>> -> memref<256x128xf32, #tpu.memory_space<vmem>>
        %dma_start3A_487 = arith.constant 0 : i32
        %dma_start3A_488 = tpu.memref_slice %arg2[%min3A_476, %dma_start3A_487] : memref<320000x128xf32, #tpu.memory_space<hbm>> -> memref<256x128xf32, #tpu.memory_space<hbm>>
        tpu.enqueue_dma source(%dma_start3A_488 : memref<256x128xf32, #tpu.memory_space<hbm>>) target(%dma_start3A_486 : memref<256x128xf32, #tpu.memory_space<vmem>>) target_semaphore(%arg11 : memref<!tpu.dma_semaphore, #tpu.memory_space<semaphore_mem>>)
        %add3A_489 = arith.constant 0 : i32
        %add3A_490 = arith.addi %min3A_476, %add3A_489 : i32
        %dma_start3A_491 = arith.constant 0 : i32
        %dma_start3A_492 = arith.constant 0 : i32
        %dma_start3A_493 = tpu.memref_slice %arg7[%sub3A_471, %dma_start3A_491, %dma_start3A_492] : memref<2x2x128xi32, #tpu.memory_space<vmem>> -> memref<1x1x128xi32, #tpu.memory_space<vmem>>
        %dma_start3A_494 = tpu.memref_squeeze %dma_start3A_493 : memref<1x1x128xi32, #tpu.memory_space<vmem>> -> memref<128xi32, #tpu.memory_space<vmem>>
        %dma_start3A_495 = tpu.memref_slice %arg3[%add3A_490] : memref<320000xi32, #tpu.memory_space<hbm>> -> memref<128xi32, #tpu.memory_space<hbm>>
        %dma_start3A_496 = arith.constant 0 : i32
        %dma_start3A_497 = tpu.memref_slice %arg7[%sub3A_471, %dma_start3A_491, %dma_start3A_496] : memref<2x2x128xi32, #tpu.memory_space<vmem>> -> memref<1x1x128xi32, #tpu.memory_space<vmem>>
        %dma_start3A_498 = tpu.memref_squeeze %dma_start3A_497 : memref<1x1x128xi32, #tpu.memory_space<vmem>> -> memref<128xi32, #tpu.memory_space<vmem>>
        %dma_start3A_499 = tpu.memref_slice %arg3[%add3A_490] : memref<320000xi32, #tpu.memory_space<hbm>> -> memref<128xi32, #tpu.memory_space<hbm>>
        tpu.enqueue_dma source(%dma_start3A_499 : memref<128xi32, #tpu.memory_space<hbm>>) target(%dma_start3A_498 : memref<128xi32, #tpu.memory_space<vmem>>) target_semaphore(%arg11 : memref<!tpu.dma_semaphore, #tpu.memory_space<semaphore_mem>>)
        %add3A_500 = arith.constant 128 : i32
        %add3A_501 = arith.addi %min3A_476, %add3A_500 : i32
        %dma_start3A_502 = arith.constant 1 : i32
        %dma_start3A_503 = arith.constant 0 : i32
        %dma_start3A_504 = tpu.memref_slice %arg7[%sub3A_471, %dma_start3A_502, %dma_start3A_503] : memref<2x2x128xi32, #tpu.memory_space<vmem>> -> memref<1x1x128xi32, #tpu.memory_space<vmem>>
        %dma_start3A_505 = tpu.memref_squeeze %dma_start3A_504 : memref<1x1x128xi32, #tpu.memory_space<vmem>> -> memref<128xi32, #tpu.memory_space<vmem>>
        %dma_start3A_506 = tpu.memref_slice %arg3[%add3A_501] : memref<320000xi32, #tpu.memory_space<hbm>> -> memref<128xi32, #tpu.memory_space<hbm>>
        %dma_start3A_507 = arith.constant 0 : i32
        %dma_start3A_508 = tpu.memref_slice %arg7[%sub3A_471, %dma_start3A_502, %dma_start3A_507] : memref<2x2x128xi32, #tpu.memory_space<vmem>> -> memref<1x1x128xi32, #tpu.memory_space<vmem>>
        %dma_start3A_509 = tpu.memref_squeeze %dma_start3A_508 : memref<1x1x128xi32, #tpu.memory_space<vmem>> -> memref<128xi32, #tpu.memory_space<vmem>>
        %dma_start3A_510 = tpu.memref_slice %arg3[%add3A_501] : memref<320000xi32, #tpu.memory_space<hbm>> -> memref<128xi32, #tpu.memory_space<hbm>>
        tpu.enqueue_dma source(%dma_start3A_510 : memref<128xi32, #tpu.memory_space<hbm>>) target(%dma_start3A_509 : memref<128xi32, #tpu.memory_space<vmem>>) target_semaphore(%arg11 : memref<!tpu.dma_semaphore, #tpu.memory_space<semaphore_mem>>)
      } else {
      }
      %mul3A_426 = arith.constant 256 : i32
      %mul3A_427 = arith.muli %while3A_359, %mul3A_426 : i32
      %add3A_428 = arith.addi %mul3A_311, %mul3A_427 : i32
      %min3A_429 = arith.constant 319744 : i32
      %min3A_430 = arith.minsi %add3A_428, %min3A_429 : i32
      %mul3A_431 = arith.constant 256 : i32
      %mul3A_432 = arith.muli %while3A_359, %mul3A_431 : i32
      %add3A_433 = arith.addi %mul3A_311, %mul3A_432 : i32
      %max3A = arith.maxsi %add3A_280, %add3A_433 : i32
      %le3A = arith.cmpi sle, %max3A, %min3A_430 : i32
      %add3A_434 = arith.constant 256 : i32
      %add3A_435 = arith.addi %min3A_430, %add3A_434 : i32
      %le3A_436 = arith.cmpi sle, %add3A_435, %add3A_283 : i32
      %and3A_437 = arith.andi %le3A, %le3A_436 : i1
      %eq3A_438 = arith.constant 0 : i32
      %eq3A_439 = arith.cmpi eq, %mul3A_8, %eq3A_438 : i32
      %and3A_440 = arith.andi %and3A_437, %eq3A_439 : i1
      %not3A = arith.constant true
      %not3A_441 = arith.xori %and3A_440, %not3A : i1
      %convert_element_type3A_442 = arith.extui %not3A_441 : i1 to i32
      %cond3A_443 = arith.constant 0 : i32
      %cond3A_444 = arith.cmpi ne, %convert_element_type3A_442, %cond3A_443 : i32
      scf.if %cond3A_444 {
        %add3A_468 = arith.constant 0 : i32
        %add3A_469 = arith.addi %min3A_430, %add3A_468 : i32
        %add3A_470 = arith.constant 0 : i32
        %add3A_471 = arith.addi %add3A_469, %add3A_470 : i32
        %add3A_472 = vector.broadcast %add3A_471 : i32 to vector<16xi32>
        %add3A_473 = arith.addi %add3A_472, %iota3A : vector<16xi32>
        %get3A_474 = arith.constant 0 : i32
        %get3A_475 = arith.index_cast %select_n3A_376 : i32 to index
        %get3A_476 = arith.index_cast %get3A_474 : i32 to index
        %get3A_477 = arith.constant 0 : index
        %get3A_478 = tpu.vector_load %arg7[%get3A_475, %get3A_476, %get3A_477] {strides = array<i32>} : memref<2x2x128xi32, #tpu.memory_space<vmem>>, vector<1x1x16xi32>,
        %get3A_479 = vector.shape_cast %get3A_478 : vector<1x1x16xi32> to vector<16xi32>
        %ge3A_480 = vector.broadcast %max3A : i32 to vector<16xi32>
        %ge3A_481 = arith.cmpi sge, %add3A_473, %ge3A_480 : vector<16xi32>
        %lt3A_482 = vector.broadcast %add3A_283 : i32 to vector<16xi32>
        %lt3A_483 = arith.cmpi slt, %add3A_473, %lt3A_482 : vector<16xi32>
        %and3A_484 = arith.andi %ge3A_481, %lt3A_483 : vector<16xi1>
        %sub3A_485 = vector.broadcast %mul3A_8 : i32 to vector<16xi32>
        %sub3A_486 = arith.subi %get3A_479, %sub3A_485 : vector<16xi32>
        %broadcast_in_dim3A = vector.broadcast %add3A_19 : i32 to vector<16xi32>
        %select_n3A_487 = arith.select %and3A_484, %sub3A_486, %broadcast_in_dim3A : vector<16xi1>, vector<16xi32>
        %swap3A = arith.constant 0 : i32
        %swap3A_488 = arith.index_cast %select_n3A_376 : i32 to index
        %swap3A_489 = arith.index_cast %swap3A : i32 to index
        %swap3A_490 = arith.constant 0 : index
        %swap3A_491 = tpu.vector_load %arg7[%swap3A_488, %swap3A_489, %swap3A_490] {strides = array<i32>} : memref<2x2x128xi32, #tpu.memory_space<vmem>>, vector<1x1x16xi32>,
        %swap3A_492 = vector.shape_cast %swap3A_491 : vector<1x1x16xi32> to vector<16xi32>
        %swap3A_493 = vector.shape_cast %select_n3A_487 : vector<16xi32> to vector<1x1x16xi32>
        tpu.vector_store %arg7[%swap3A_488, %swap3A_489, %swap3A_490], %swap3A_493 {strides = array<i32>} : memref<2x2x128xi32, #tpu.memory_space<vmem>>, vector<1x1x16xi32>,
        %add3A_494 = arith.constant 0 : i32
        %add3A_495 = arith.addi %min3A_430, %add3A_494 : i32
        %add3A_496 = arith.constant 16 : i32
        %add3A_497 = arith.addi %add3A_495, %add3A_496 : i32
        %add3A_498 = vector.broadcast %add3A_497 : i32 to vector<16xi32>
        %add3A_499 = arith.addi %add3A_498, %iota3A : vector<16xi32>
        %get3A_500 = arith.constant 0 : i32
        %get3A_501 = arith.index_cast %select_n3A_376 : i32 to index
        %get3A_502 = arith.index_cast %get3A_500 : i32 to index
        %get3A_503 = arith.constant 16 : index
        %get3A_504 = tpu.vector_load %arg7[%get3A_501, %get3A_502, %get3A_503] {strides = array<i32>} : memref<2x2x128xi32, #tpu.memory_space<vmem>>, vector<1x1x16xi32>,
        %get3A_505 = vector.shape_cast %get3A_504 : vector<1x1x16xi32> to vector<16xi32>
        %ge3A_506 = vector.broadcast %max3A : i32 to vector<16xi32>
        %ge3A_507 = arith.cmpi sge, %add3A_499, %ge3A_506 : vector<16xi32>
        %lt3A_508 = vector.broadcast %add3A_283 : i32 to vector<16xi32>
        %lt3A_509 = arith.cmpi slt, %add3A_499, %lt3A_508 : vector<16xi32>
        %and3A_510 = arith.andi %ge3A_507, %lt3A_509 : vector<16xi1>
        %sub3A_511 = vector.broadcast %mul3A_8 : i32 to vector<16xi32>
        %sub3A_512 = arith.subi %get3A_505, %sub3A_511 : vector<16xi32>
        %broadcast_in_dim3A_513 = vector.broadcast %add3A_19 : i32 to vector<16xi32>
        %select_n3A_514 = arith.select %and3A_510, %sub3A_512, %broadcast_in_dim3A_513 : vector<16xi1>, vector<16xi32>
        %swap3A_515 = arith.constant 0 : i32
        %swap3A_516 = arith.index_cast %select_n3A_376 : i32 to index
        %swap3A_517 = arith.index_cast %swap3A_515 : i32 to index
        %swap3A_518 = arith.constant 16 : index
        %swap3A_519 = tpu.vector_load %arg7[%swap3A_516, %swap3A_517, %swap3A_518] {strides = array<i32>} : memref<2x2x128xi32, #tpu.memory_space<vmem>>, vector<1x1x16xi32>,
        %swap3A_520 = vector.shape_cast %swap3A_519 : vector<1x1x16xi32> to vector<16xi32>
        %swap3A_521 = vector.shape_cast %select_n3A_514 : vector<16xi32> to vector<1x1x16xi32>
        tpu.vector_store %arg7[%swap3A_516, %swap3A_517, %swap3A_518], %swap3A_521 {strides = array<i32>} : memref<2x2x128xi32, #tpu.memory_space<vmem>>, vector<1x1x16xi32>,
        %add3A_522 = arith.constant 0 : i32
        %add3A_523 = arith.addi %min3A_430, %add3A_522 : i32
        %add3A_524 = arith.constant 32 : i32
        %add3A_525 = arith.addi %add3A_523, %add3A_524 : i32
        %add3A_526 = vector.broadcast %add3A_525 : i32 to vector<16xi32>
        %add3A_527 = arith.addi %add3A_526, %iota3A : vector<16xi32>
        %get3A_528 = arith.constant 0 : i32
        %get3A_529 = arith.index_cast %select_n3A_376 : i32 to index
        %get3A_530 = arith.index_cast %get3A_528 : i32 to index
        %get3A_531 = arith.constant 32 : index
        %get3A_532 = tpu.vector_load %arg7[%get3A_529, %get3A_530, %get3A_531] {strides = array<i32>} : memref<2x2x128xi32, #tpu.memory_space<vmem>>, vector<1x1x16xi32>,
        %get3A_533 = vector.shape_cast %get3A_532 : vector<1x1x16xi32> to vector<16xi32>
        %ge3A_534 = vector.broadcast %max3A : i32 to vector<16xi32>
        %ge3A_535 = arith.cmpi sge, %add3A_527, %ge3A_534 : vector<16xi32>
        %lt3A_536 = vector.broadcast %add3A_283 : i32 to vector<16xi32>
        %lt3A_537 = arith.cmpi slt, %add3A_527, %lt3A_536 : vector<16xi32>
        %and3A_538 = arith.andi %ge3A_535, %lt3A_537 : vector<16xi1>
        %sub3A_539 = vector.broadcast %mul3A_8 : i32 to vector<16xi32>
        %sub3A_540 = arith.subi %get3A_533, %sub3A_539 : vector<16xi32>
        %broadcast_in_dim3A_541 = vector.broadcast %add3A_19 : i32 to vector<16xi32>
        %select_n3A_542 = arith.select %and3A_538, %sub3A_540, %broadcast_in_dim3A_541 : vector<16xi1>, vector<16xi32>
        %swap3A_543 = arith.constant 0 : i32
        %swap3A_544 = arith.index_cast %select_n3A_376 : i32 to index
        %swap3A_545 = arith.index_cast %swap3A_543 : i32 to index
        %swap3A_546 = arith.constant 32 : index
        %swap3A_547 = tpu.vector_load %arg7[%swap3A_544, %swap3A_545, %swap3A_546] {strides = array<i32>} : memref<2x2x128xi32, #tpu.memory_space<vmem>>, vector<1x1x16xi32>,
        %swap3A_548 = vector.shape_cast %swap3A_547 : vector<1x1x16xi32> to vector<16xi32>
        %swap3A_549 = vector.shape_cast %select_n3A_542 : vector<16xi32> to vector<1x1x16xi32>
        tpu.vector_store %arg7[%swap3A_544, %swap3A_545, %swap3A_546], %swap3A_549 {strides = array<i32>} : memref<2x2x128xi32, #tpu.memory_space<vmem>>, vector<1x1x16xi32>,
        %add3A_550 = arith.constant 0 : i32
        %add3A_551 = arith.addi %min3A_430, %add3A_550 : i32
        %add3A_552 = arith.constant 48 : i32
        %add3A_553 = arith.addi %add3A_551, %add3A_552 : i32
        %add3A_554 = vector.broadcast %add3A_553 : i32 to vector<16xi32>
        %add3A_555 = arith.addi %add3A_554, %iota3A : vector<16xi32>
        %get3A_556 = arith.constant 0 : i32
        %get3A_557 = arith.index_cast %select_n3A_376 : i32 to index
        %get3A_558 = arith.index_cast %get3A_556 : i32 to index
        %get3A_559 = arith.constant 48 : index
        %get3A_560 = tpu.vector_load %arg7[%get3A_557, %get3A_558, %get3A_559] {strides = array<i32>} : memref<2x2x128xi32, #tpu.memory_space<vmem>>, vector<1x1x16xi32>,
        %get3A_561 = vector.shape_cast %get3A_560 : vector<1x1x16xi32> to vector<16xi32>
        %ge3A_562 = vector.broadcast %max3A : i32 to vector<16xi32>
        %ge3A_563 = arith.cmpi sge, %add3A_555, %ge3A_562 : vector<16xi32>
        %lt3A_564 = vector.broadcast %add3A_283 : i32 to vector<16xi32>
        %lt3A_565 = arith.cmpi slt, %add3A_555, %lt3A_564 : vector<16xi32>
        %and3A_566 = arith.andi %ge3A_563, %lt3A_565 : vector<16xi1>
        %sub3A_567 = vector.broadcast %mul3A_8 : i32 to vector<16xi32>
        %sub3A_568 = arith.subi %get3A_561, %sub3A_567 : vector<16xi32>
        %broadcast_in_dim3A_569 = vector.broadcast %add3A_19 : i32 to vector<16xi32>
        %select_n3A_570 = arith.select %and3A_566, %sub3A_568, %broadcast_in_dim3A_569 : vector<16xi1>, vector<16xi32>
        %swap3A_571 = arith.constant 0 : i32
        %swap3A_572 = arith.index_cast %select_n3A_376 : i32 to index
        %swap3A_573 = arith.index_cast %swap3A_571 : i32 to index
        %swap3A_574 = arith.constant 48 : index
        %swap3A_575 = tpu.vector_load %arg7[%swap3A_572, %swap3A_573, %swap3A_574] {strides = array<i32>} : memref<2x2x128xi32, #tpu.memory_space<vmem>>, vector<1x1x16xi32>,
        %swap3A_576 = vector.shape_cast %swap3A_575 : vector<1x1x16xi32> to vector<16xi32>
        %swap3A_577 = vector.shape_cast %select_n3A_570 : vector<16xi32> to vector<1x1x16xi32>
        tpu.vector_store %arg7[%swap3A_572, %swap3A_573, %swap3A_574], %swap3A_577 {strides = array<i32>} : memref<2x2x128xi32, #tpu.memory_space<vmem>>, vector<1x1x16xi32>,
        %add3A_578 = arith.constant 0 : i32
        %add3A_579 = arith.addi %min3A_430, %add3A_578 : i32
        %add3A_580 = arith.constant 64 : i32
        %add3A_581 = arith.addi %add3A_579, %add3A_580 : i32
        %add3A_582 = vector.broadcast %add3A_581 : i32 to vector<16xi32>
        %add3A_583 = arith.addi %add3A_582, %iota3A : vector<16xi32>
        %get3A_584 = arith.constant 0 : i32
        %get3A_585 = arith.index_cast %select_n3A_376 : i32 to index
        %get3A_586 = arith.index_cast %get3A_584 : i32 to index
        %get3A_587 = arith.constant 64 : index
        %get3A_588 = tpu.vector_load %arg7[%get3A_585, %get3A_586, %get3A_587] {strides = array<i32>} : memref<2x2x128xi32, #tpu.memory_space<vmem>>, vector<1x1x16xi32>,
        %get3A_589 = vector.shape_cast %get3A_588 : vector<1x1x16xi32> to vector<16xi32>
        %ge3A_590 = vector.broadcast %max3A : i32 to vector<16xi32>
        %ge3A_591 = arith.cmpi sge, %add3A_583, %ge3A_590 : vector<16xi32>
        %lt3A_592 = vector.broadcast %add3A_283 : i32 to vector<16xi32>
        %lt3A_593 = arith.cmpi slt, %add3A_583, %lt3A_592 : vector<16xi32>
        %and3A_594 = arith.andi %ge3A_591, %lt3A_593 : vector<16xi1>
        %sub3A_595 = vector.broadcast %mul3A_8 : i32 to vector<16xi32>
        %sub3A_596 = arith.subi %get3A_589, %sub3A_595 : vector<16xi32>
        %broadcast_in_dim3A_597 = vector.broadcast %add3A_19 : i32 to vector<16xi32>
        %select_n3A_598 = arith.select %and3A_594, %sub3A_596, %broadcast_in_dim3A_597 : vector<16xi1>, vector<16xi32>
        %swap3A_599 = arith.constant 0 : i32
        %swap3A_600 = arith.index_cast %select_n3A_376 : i32 to index
        %swap3A_601 = arith.index_cast %swap3A_599 : i32 to index
        %swap3A_602 = arith.constant 64 : index
        %swap3A_603 = tpu.vector_load %arg7[%swap3A_600, %swap3A_601, %swap3A_602] {strides = array<i32>} : memref<2x2x128xi32, #tpu.memory_space<vmem>>, vector<1x1x16xi32>,
        %swap3A_604 = vector.shape_cast %swap3A_603 : vector<1x1x16xi32> to vector<16xi32>
        %swap3A_605 = vector.shape_cast %select_n3A_598 : vector<16xi32> to vector<1x1x16xi32>
        tpu.vector_store %arg7[%swap3A_600, %swap3A_601, %swap3A_602], %swap3A_605 {strides = array<i32>} : memref<2x2x128xi32, #tpu.memory_space<vmem>>, vector<1x1x16xi32>,
        %add3A_606 = arith.constant 0 : i32
        %add3A_607 = arith.addi %min3A_430, %add3A_606 : i32
        %add3A_608 = arith.constant 80 : i32
        %add3A_609 = arith.addi %add3A_607, %add3A_608 : i32
        %add3A_610 = vector.broadcast %add3A_609 : i32 to vector<16xi32>
        %add3A_611 = arith.addi %add3A_610, %iota3A : vector<16xi32>
        %get3A_612 = arith.constant 0 : i32
        %get3A_613 = arith.index_cast %select_n3A_376 : i32 to index
        %get3A_614 = arith.index_cast %get3A_612 : i32 to index
        %get3A_615 = arith.constant 80 : index
        %get3A_616 = tpu.vector_load %arg7[%get3A_613, %get3A_614, %get3A_615] {strides = array<i32>} : memref<2x2x128xi32, #tpu.memory_space<vmem>>, vector<1x1x16xi32>,
        %get3A_617 = vector.shape_cast %get3A_616 : vector<1x1x16xi32> to vector<16xi32>
        %ge3A_618 = vector.broadcast %max3A : i32 to vector<16xi32>
        %ge3A_619 = arith.cmpi sge, %add3A_611, %ge3A_618 : vector<16xi32>
        %lt3A_620 = vector.broadcast %add3A_283 : i32 to vector<16xi32>
        %lt3A_621 = arith.cmpi slt, %add3A_611, %lt3A_620 : vector<16xi32>
        %and3A_622 = arith.andi %ge3A_619, %lt3A_621 : vector<16xi1>
        %sub3A_623 = vector.broadcast %mul3A_8 : i32 to vector<16xi32>
        %sub3A_624 = arith.subi %get3A_617, %sub3A_623 : vector<16xi32>
        %broadcast_in_dim3A_625 = vector.broadcast %add3A_19 : i32 to vector<16xi32>
        %select_n3A_626 = arith.select %and3A_622, %sub3A_624, %broadcast_in_dim3A_625 : vector<16xi1>, vector<16xi32>
        %swap3A_627 = arith.constant 0 : i32
        %swap3A_628 = arith.index_cast %select_n3A_376 : i32 to index
        %swap3A_629 = arith.index_cast %swap3A_627 : i32 to index
        %swap3A_630 = arith.constant 80 : index
        %swap3A_631 = tpu.vector_load %arg7[%swap3A_628, %swap3A_629, %swap3A_630] {strides = array<i32>} : memref<2x2x128xi32, #tpu.memory_space<vmem>>, vector<1x1x16xi32>,
        %swap3A_632 = vector.shape_cast %swap3A_631 : vector<1x1x16xi32> to vector<16xi32>
        %swap3A_633 = vector.shape_cast %select_n3A_626 : vector<16xi32> to vector<1x1x16xi32>
        tpu.vector_store %arg7[%swap3A_628, %swap3A_629, %swap3A_630], %swap3A_633 {strides = array<i32>} : memref<2x2x128xi32, #tpu.memory_space<vmem>>, vector<1x1x16xi32>,
        %add3A_634 = arith.constant 0 : i32
        %add3A_635 = arith.addi %min3A_430, %add3A_634 : i32
        %add3A_636 = arith.constant 96 : i32
        %add3A_637 = arith.addi %add3A_635, %add3A_636 : i32
        %add3A_638 = vector.broadcast %add3A_637 : i32 to vector<16xi32>
        %add3A_639 = arith.addi %add3A_638, %iota3A : vector<16xi32>
        %get3A_640 = arith.constant 0 : i32
        %get3A_641 = arith.index_cast %select_n3A_376 : i32 to index
        %get3A_642 = arith.index_cast %get3A_640 : i32 to index
        %get3A_643 = arith.constant 96 : index
        %get3A_644 = tpu.vector_load %arg7[%get3A_641, %get3A_642, %get3A_643] {strides = array<i32>} : memref<2x2x128xi32, #tpu.memory_space<vmem>>, vector<1x1x16xi32>,
        %get3A_645 = vector.shape_cast %get3A_644 : vector<1x1x16xi32> to vector<16xi32>
        %ge3A_646 = vector.broadcast %max3A : i32 to vector<16xi32>
        %ge3A_647 = arith.cmpi sge, %add3A_639, %ge3A_646 : vector<16xi32>
        %lt3A_648 = vector.broadcast %add3A_283 : i32 to vector<16xi32>
        %lt3A_649 = arith.cmpi slt, %add3A_639, %lt3A_648 : vector<16xi32>
        %and3A_650 = arith.andi %ge3A_647, %lt3A_649 : vector<16xi1>
        %sub3A_651 = vector.broadcast %mul3A_8 : i32 to vector<16xi32>
        %sub3A_652 = arith.subi %get3A_645, %sub3A_651 : vector<16xi32>
        %broadcast_in_dim3A_653 = vector.broadcast %add3A_19 : i32 to vector<16xi32>
        %select_n3A_654 = arith.select %and3A_650, %sub3A_652, %broadcast_in_dim3A_653 : vector<16xi1>, vector<16xi32>
        %swap3A_655 = arith.constant 0 : i32
        %swap3A_656 = arith.index_cast %select_n3A_376 : i32 to index
        %swap3A_657 = arith.index_cast %swap3A_655 : i32 to index
        %swap3A_658 = arith.constant 96 : index
        %swap3A_659 = tpu.vector_load %arg7[%swap3A_656, %swap3A_657, %swap3A_658] {strides = array<i32>} : memref<2x2x128xi32, #tpu.memory_space<vmem>>, vector<1x1x16xi32>,
        %swap3A_660 = vector.shape_cast %swap3A_659 : vector<1x1x16xi32> to vector<16xi32>
        %swap3A_661 = vector.shape_cast %select_n3A_654 : vector<16xi32> to vector<1x1x16xi32>
        tpu.vector_store %arg7[%swap3A_656, %swap3A_657, %swap3A_658], %swap3A_661 {strides = array<i32>} : memref<2x2x128xi32, #tpu.memory_space<vmem>>, vector<1x1x16xi32>,
        %add3A_662 = arith.constant 0 : i32
        %add3A_663 = arith.addi %min3A_430, %add3A_662 : i32
        %add3A_664 = arith.constant 112 : i32
        %add3A_665 = arith.addi %add3A_663, %add3A_664 : i32
        %add3A_666 = vector.broadcast %add3A_665 : i32 to vector<16xi32>
        %add3A_667 = arith.addi %add3A_666, %iota3A : vector<16xi32>
        %get3A_668 = arith.constant 0 : i32
        %get3A_669 = arith.index_cast %select_n3A_376 : i32 to index
        %get3A_670 = arith.index_cast %get3A_668 : i32 to index
        %get3A_671 = arith.constant 112 : index
        %get3A_672 = tpu.vector_load %arg7[%get3A_669, %get3A_670, %get3A_671] {strides = array<i32>} : memref<2x2x128xi32, #tpu.memory_space<vmem>>, vector<1x1x16xi32>,
        %get3A_673 = vector.shape_cast %get3A_672 : vector<1x1x16xi32> to vector<16xi32>
        %ge3A_674 = vector.broadcast %max3A : i32 to vector<16xi32>
        %ge3A_675 = arith.cmpi sge, %add3A_667, %ge3A_674 : vector<16xi32>
        %lt3A_676 = vector.broadcast %add3A_283 : i32 to vector<16xi32>
        %lt3A_677 = arith.cmpi slt, %add3A_667, %lt3A_676 : vector<16xi32>
        %and3A_678 = arith.andi %ge3A_675, %lt3A_677 : vector<16xi1>
        %sub3A_679 = vector.broadcast %mul3A_8 : i32 to vector<16xi32>
        %sub3A_680 = arith.subi %get3A_673, %sub3A_679 : vector<16xi32>
        %broadcast_in_dim3A_681 = vector.broadcast %add3A_19 : i32 to vector<16xi32>
        %select_n3A_682 = arith.select %and3A_678, %sub3A_680, %broadcast_in_dim3A_681 : vector<16xi1>, vector<16xi32>
        %swap3A_683 = arith.constant 0 : i32
        %swap3A_684 = arith.index_cast %select_n3A_376 : i32 to index
        %swap3A_685 = arith.index_cast %swap3A_683 : i32 to index
        %swap3A_686 = arith.constant 112 : index
        %swap3A_687 = tpu.vector_load %arg7[%swap3A_684, %swap3A_685, %swap3A_686] {strides = array<i32>} : memref<2x2x128xi32, #tpu.memory_space<vmem>>, vector<1x1x16xi32>,
        %swap3A_688 = vector.shape_cast %swap3A_687 : vector<1x1x16xi32> to vector<16xi32>
        %swap3A_689 = vector.shape_cast %select_n3A_682 : vector<16xi32> to vector<1x1x16xi32>
        tpu.vector_store %arg7[%swap3A_684, %swap3A_685, %swap3A_686], %swap3A_689 {strides = array<i32>} : memref<2x2x128xi32, #tpu.memory_space<vmem>>, vector<1x1x16xi32>,
        %add3A_690 = arith.constant 128 : i32
        %add3A_691 = arith.addi %min3A_430, %add3A_690 : i32
        %add3A_692 = arith.constant 0 : i32
        %add3A_693 = arith.addi %add3A_691, %add3A_692 : i32
        %add3A_694 = vector.broadcast %add3A_693 : i32 to vector<16xi32>
        %add3A_695 = arith.addi %add3A_694, %iota3A : vector<16xi32>
        %get3A_696 = arith.constant 1 : i32
        %get3A_697 = arith.index_cast %select_n3A_376 : i32 to index
        %get3A_698 = arith.index_cast %get3A_696 : i32 to index
        %get3A_699 = arith.constant 0 : index
        %get3A_700 = tpu.vector_load %arg7[%get3A_697, %get3A_698, %get3A_699] {strides = array<i32>} : memref<2x2x128xi32, #tpu.memory_space<vmem>>, vector<1x1x16xi32>,
        %get3A_701 = vector.shape_cast %get3A_700 : vector<1x1x16xi32> to vector<16xi32>
        %ge3A_702 = vector.broadcast %max3A : i32 to vector<16xi32>
        %ge3A_703 = arith.cmpi sge, %add3A_695, %ge3A_702 : vector<16xi32>
        %lt3A_704 = vector.broadcast %add3A_283 : i32 to vector<16xi32>
        %lt3A_705 = arith.cmpi slt, %add3A_695, %lt3A_704 : vector<16xi32>
        %and3A_706 = arith.andi %ge3A_703, %lt3A_705 : vector<16xi1>
        %sub3A_707 = vector.broadcast %mul3A_8 : i32 to vector<16xi32>
        %sub3A_708 = arith.subi %get3A_701, %sub3A_707 : vector<16xi32>
        %broadcast_in_dim3A_709 = vector.broadcast %add3A_19 : i32 to vector<16xi32>
        %select_n3A_710 = arith.select %and3A_706, %sub3A_708, %broadcast_in_dim3A_709 : vector<16xi1>, vector<16xi32>
        %swap3A_711 = arith.constant 1 : i32
        %swap3A_712 = arith.index_cast %select_n3A_376 : i32 to index
        %swap3A_713 = arith.index_cast %swap3A_711 : i32 to index
        %swap3A_714 = arith.constant 0 : index
        %swap3A_715 = tpu.vector_load %arg7[%swap3A_712, %swap3A_713, %swap3A_714] {strides = array<i32>} : memref<2x2x128xi32, #tpu.memory_space<vmem>>, vector<1x1x16xi32>,
        %swap3A_716 = vector.shape_cast %swap3A_715 : vector<1x1x16xi32> to vector<16xi32>
        %swap3A_717 = vector.shape_cast %select_n3A_710 : vector<16xi32> to vector<1x1x16xi32>
        tpu.vector_store %arg7[%swap3A_712, %swap3A_713, %swap3A_714], %swap3A_717 {strides = array<i32>} : memref<2x2x128xi32, #tpu.memory_space<vmem>>, vector<1x1x16xi32>,
        %add3A_718 = arith.constant 128 : i32
        %add3A_719 = arith.addi %min3A_430, %add3A_718 : i32
        %add3A_720 = arith.constant 16 : i32
        %add3A_721 = arith.addi %add3A_719, %add3A_720 : i32
        %add3A_722 = vector.broadcast %add3A_721 : i32 to vector<16xi32>
        %add3A_723 = arith.addi %add3A_722, %iota3A : vector<16xi32>
        %get3A_724 = arith.constant 1 : i32
        %get3A_725 = arith.index_cast %select_n3A_376 : i32 to index
        %get3A_726 = arith.index_cast %get3A_724 : i32 to index
        %get3A_727 = arith.constant 16 : index
        %get3A_728 = tpu.vector_load %arg7[%get3A_725, %get3A_726, %get3A_727] {strides = array<i32>} : memref<2x2x128xi32, #tpu.memory_space<vmem>>, vector<1x1x16xi32>,
        %get3A_729 = vector.shape_cast %get3A_728 : vector<1x1x16xi32> to vector<16xi32>
        %ge3A_730 = vector.broadcast %max3A : i32 to vector<16xi32>
        %ge3A_731 = arith.cmpi sge, %add3A_723, %ge3A_730 : vector<16xi32>
        %lt3A_732 = vector.broadcast %add3A_283 : i32 to vector<16xi32>
        %lt3A_733 = arith.cmpi slt, %add3A_723, %lt3A_732 : vector<16xi32>
        %and3A_734 = arith.andi %ge3A_731, %lt3A_733 : vector<16xi1>
        %sub3A_735 = vector.broadcast %mul3A_8 : i32 to vector<16xi32>
        %sub3A_736 = arith.subi %get3A_729, %sub3A_735 : vector<16xi32>
        %broadcast_in_dim3A_737 = vector.broadcast %add3A_19 : i32 to vector<16xi32>
        %select_n3A_738 = arith.select %and3A_734, %sub3A_736, %broadcast_in_dim3A_737 : vector<16xi1>, vector<16xi32>
        %swap3A_739 = arith.constant 1 : i32
        %swap3A_740 = arith.index_cast %select_n3A_376 : i32 to index
        %swap3A_741 = arith.index_cast %swap3A_739 : i32 to index
        %swap3A_742 = arith.constant 16 : index
        %swap3A_743 = tpu.vector_load %arg7[%swap3A_740, %swap3A_741, %swap3A_742] {strides = array<i32>} : memref<2x2x128xi32, #tpu.memory_space<vmem>>, vector<1x1x16xi32>,
        %swap3A_744 = vector.shape_cast %swap3A_743 : vector<1x1x16xi32> to vector<16xi32>
        %swap3A_745 = vector.shape_cast %select_n3A_738 : vector<16xi32> to vector<1x1x16xi32>
        tpu.vector_store %arg7[%swap3A_740, %swap3A_741, %swap3A_742], %swap3A_745 {strides = array<i32>} : memref<2x2x128xi32, #tpu.memory_space<vmem>>, vector<1x1x16xi32>,
        %add3A_746 = arith.constant 128 : i32
        %add3A_747 = arith.addi %min3A_430, %add3A_746 : i32
        %add3A_748 = arith.constant 32 : i32
        %add3A_749 = arith.addi %add3A_747, %add3A_748 : i32
        %add3A_750 = vector.broadcast %add3A_749 : i32 to vector<16xi32>
        %add3A_751 = arith.addi %add3A_750, %iota3A : vector<16xi32>
        %get3A_752 = arith.constant 1 : i32
        %get3A_753 = arith.index_cast %select_n3A_376 : i32 to index
        %get3A_754 = arith.index_cast %get3A_752 : i32 to index
        %get3A_755 = arith.constant 32 : index
        %get3A_756 = tpu.vector_load %arg7[%get3A_753, %get3A_754, %get3A_755] {strides = array<i32>} : memref<2x2x128xi32, #tpu.memory_space<vmem>>, vector<1x1x16xi32>,
        %get3A_757 = vector.shape_cast %get3A_756 : vector<1x1x16xi32> to vector<16xi32>
        %ge3A_758 = vector.broadcast %max3A : i32 to vector<16xi32>
        %ge3A_759 = arith.cmpi sge, %add3A_751, %ge3A_758 : vector<16xi32>
        %lt3A_760 = vector.broadcast %add3A_283 : i32 to vector<16xi32>
        %lt3A_761 = arith.cmpi slt, %add3A_751, %lt3A_760 : vector<16xi32>
        %and3A_762 = arith.andi %ge3A_759, %lt3A_761 : vector<16xi1>
        %sub3A_763 = vector.broadcast %mul3A_8 : i32 to vector<16xi32>
        %sub3A_764 = arith.subi %get3A_757, %sub3A_763 : vector<16xi32>
        %broadcast_in_dim3A_765 = vector.broadcast %add3A_19 : i32 to vector<16xi32>
        %select_n3A_766 = arith.select %and3A_762, %sub3A_764, %broadcast_in_dim3A_765 : vector<16xi1>, vector<16xi32>
        %swap3A_767 = arith.constant 1 : i32
        %swap3A_768 = arith.index_cast %select_n3A_376 : i32 to index
        %swap3A_769 = arith.index_cast %swap3A_767 : i32 to index
        %swap3A_770 = arith.constant 32 : index
        %swap3A_771 = tpu.vector_load %arg7[%swap3A_768, %swap3A_769, %swap3A_770] {strides = array<i32>} : memref<2x2x128xi32, #tpu.memory_space<vmem>>, vector<1x1x16xi32>,
        %swap3A_772 = vector.shape_cast %swap3A_771 : vector<1x1x16xi32> to vector<16xi32>
        %swap3A_773 = vector.shape_cast %select_n3A_766 : vector<16xi32> to vector<1x1x16xi32>
        tpu.vector_store %arg7[%swap3A_768, %swap3A_769, %swap3A_770], %swap3A_773 {strides = array<i32>} : memref<2x2x128xi32, #tpu.memory_space<vmem>>, vector<1x1x16xi32>,
        %add3A_774 = arith.constant 128 : i32
        %add3A_775 = arith.addi %min3A_430, %add3A_774 : i32
        %add3A_776 = arith.constant 48 : i32
        %add3A_777 = arith.addi %add3A_775, %add3A_776 : i32
        %add3A_778 = vector.broadcast %add3A_777 : i32 to vector<16xi32>
        %add3A_779 = arith.addi %add3A_778, %iota3A : vector<16xi32>
        %get3A_780 = arith.constant 1 : i32
        %get3A_781 = arith.index_cast %select_n3A_376 : i32 to index
        %get3A_782 = arith.index_cast %get3A_780 : i32 to index
        %get3A_783 = arith.constant 48 : index
        %get3A_784 = tpu.vector_load %arg7[%get3A_781, %get3A_782, %get3A_783] {strides = array<i32>} : memref<2x2x128xi32, #tpu.memory_space<vmem>>, vector<1x1x16xi32>,
        %get3A_785 = vector.shape_cast %get3A_784 : vector<1x1x16xi32> to vector<16xi32>
        %ge3A_786 = vector.broadcast %max3A : i32 to vector<16xi32>
        %ge3A_787 = arith.cmpi sge, %add3A_779, %ge3A_786 : vector<16xi32>
        %lt3A_788 = vector.broadcast %add3A_283 : i32 to vector<16xi32>
        %lt3A_789 = arith.cmpi slt, %add3A_779, %lt3A_788 : vector<16xi32>
        %and3A_790 = arith.andi %ge3A_787, %lt3A_789 : vector<16xi1>
        %sub3A_791 = vector.broadcast %mul3A_8 : i32 to vector<16xi32>
        %sub3A_792 = arith.subi %get3A_785, %sub3A_791 : vector<16xi32>
        %broadcast_in_dim3A_793 = vector.broadcast %add3A_19 : i32 to vector<16xi32>
        %select_n3A_794 = arith.select %and3A_790, %sub3A_792, %broadcast_in_dim3A_793 : vector<16xi1>, vector<16xi32>
        %swap3A_795 = arith.constant 1 : i32
        %swap3A_796 = arith.index_cast %select_n3A_376 : i32 to index
        %swap3A_797 = arith.index_cast %swap3A_795 : i32 to index
        %swap3A_798 = arith.constant 48 : index
        %swap3A_799 = tpu.vector_load %arg7[%swap3A_796, %swap3A_797, %swap3A_798] {strides = array<i32>} : memref<2x2x128xi32, #tpu.memory_space<vmem>>, vector<1x1x16xi32>,
        %swap3A_800 = vector.shape_cast %swap3A_799 : vector<1x1x16xi32> to vector<16xi32>
        %swap3A_801 = vector.shape_cast %select_n3A_794 : vector<16xi32> to vector<1x1x16xi32>
        tpu.vector_store %arg7[%swap3A_796, %swap3A_797, %swap3A_798], %swap3A_801 {strides = array<i32>} : memref<2x2x128xi32, #tpu.memory_space<vmem>>, vector<1x1x16xi32>,
        %add3A_802 = arith.constant 128 : i32
        %add3A_803 = arith.addi %min3A_430, %add3A_802 : i32
        %add3A_804 = arith.constant 64 : i32
        %add3A_805 = arith.addi %add3A_803, %add3A_804 : i32
        %add3A_806 = vector.broadcast %add3A_805 : i32 to vector<16xi32>
        %add3A_807 = arith.addi %add3A_806, %iota3A : vector<16xi32>
        %get3A_808 = arith.constant 1 : i32
        %get3A_809 = arith.index_cast %select_n3A_376 : i32 to index
        %get3A_810 = arith.index_cast %get3A_808 : i32 to index
        %get3A_811 = arith.constant 64 : index
        %get3A_812 = tpu.vector_load %arg7[%get3A_809, %get3A_810, %get3A_811] {strides = array<i32>} : memref<2x2x128xi32, #tpu.memory_space<vmem>>, vector<1x1x16xi32>,
        %get3A_813 = vector.shape_cast %get3A_812 : vector<1x1x16xi32> to vector<16xi32>
        %ge3A_814 = vector.broadcast %max3A : i32 to vector<16xi32>
        %ge3A_815 = arith.cmpi sge, %add3A_807, %ge3A_814 : vector<16xi32>
        %lt3A_816 = vector.broadcast %add3A_283 : i32 to vector<16xi32>
        %lt3A_817 = arith.cmpi slt, %add3A_807, %lt3A_816 : vector<16xi32>
        %and3A_818 = arith.andi %ge3A_815, %lt3A_817 : vector<16xi1>
        %sub3A_819 = vector.broadcast %mul3A_8 : i32 to vector<16xi32>
        %sub3A_820 = arith.subi %get3A_813, %sub3A_819 : vector<16xi32>
        %broadcast_in_dim3A_821 = vector.broadcast %add3A_19 : i32 to vector<16xi32>
        %select_n3A_822 = arith.select %and3A_818, %sub3A_820, %broadcast_in_dim3A_821 : vector<16xi1>, vector<16xi32>
        %swap3A_823 = arith.constant 1 : i32
        %swap3A_824 = arith.index_cast %select_n3A_376 : i32 to index
        %swap3A_825 = arith.index_cast %swap3A_823 : i32 to index
        %swap3A_826 = arith.constant 64 : index
        %swap3A_827 = tpu.vector_load %arg7[%swap3A_824, %swap3A_825, %swap3A_826] {strides = array<i32>} : memref<2x2x128xi32, #tpu.memory_space<vmem>>, vector<1x1x16xi32>,
        %swap3A_828 = vector.shape_cast %swap3A_827 : vector<1x1x16xi32> to vector<16xi32>
        %swap3A_829 = vector.shape_cast %select_n3A_822 : vector<16xi32> to vector<1x1x16xi32>
        tpu.vector_store %arg7[%swap3A_824, %swap3A_825, %swap3A_826], %swap3A_829 {strides = array<i32>} : memref<2x2x128xi32, #tpu.memory_space<vmem>>, vector<1x1x16xi32>,
        %add3A_830 = arith.constant 128 : i32
        %add3A_831 = arith.addi %min3A_430, %add3A_830 : i32
        %add3A_832 = arith.constant 80 : i32
        %add3A_833 = arith.addi %add3A_831, %add3A_832 : i32
        %add3A_834 = vector.broadcast %add3A_833 : i32 to vector<16xi32>
        %add3A_835 = arith.addi %add3A_834, %iota3A : vector<16xi32>
        %get3A_836 = arith.constant 1 : i32
        %get3A_837 = arith.index_cast %select_n3A_376 : i32 to index
        %get3A_838 = arith.index_cast %get3A_836 : i32 to index
        %get3A_839 = arith.constant 80 : index
        %get3A_840 = tpu.vector_load %arg7[%get3A_837, %get3A_838, %get3A_839] {strides = array<i32>} : memref<2x2x128xi32, #tpu.memory_space<vmem>>, vector<1x1x16xi32>,
        %get3A_841 = vector.shape_cast %get3A_840 : vector<1x1x16xi32> to vector<16xi32>
        %ge3A_842 = vector.broadcast %max3A : i32 to vector<16xi32>
        %ge3A_843 = arith.cmpi sge, %add3A_835, %ge3A_842 : vector<16xi32>
        %lt3A_844 = vector.broadcast %add3A_283 : i32 to vector<16xi32>
        %lt3A_845 = arith.cmpi slt, %add3A_835, %lt3A_844 : vector<16xi32>
        %and3A_846 = arith.andi %ge3A_843, %lt3A_845 : vector<16xi1>
        %sub3A_847 = vector.broadcast %mul3A_8 : i32 to vector<16xi32>
        %sub3A_848 = arith.subi %get3A_841, %sub3A_847 : vector<16xi32>
        %broadcast_in_dim3A_849 = vector.broadcast %add3A_19 : i32 to vector<16xi32>
        %select_n3A_850 = arith.select %and3A_846, %sub3A_848, %broadcast_in_dim3A_849 : vector<16xi1>, vector<16xi32>
        %swap3A_851 = arith.constant 1 : i32
        %swap3A_852 = arith.index_cast %select_n3A_376 : i32 to index
        %swap3A_853 = arith.index_cast %swap3A_851 : i32 to index
        %swap3A_854 = arith.constant 80 : index
        %swap3A_855 = tpu.vector_load %arg7[%swap3A_852, %swap3A_853, %swap3A_854] {strides = array<i32>} : memref<2x2x128xi32, #tpu.memory_space<vmem>>, vector<1x1x16xi32>,
        %swap3A_856 = vector.shape_cast %swap3A_855 : vector<1x1x16xi32> to vector<16xi32>
        %swap3A_857 = vector.shape_cast %select_n3A_850 : vector<16xi32> to vector<1x1x16xi32>
        tpu.vector_store %arg7[%swap3A_852, %swap3A_853, %swap3A_854], %swap3A_857 {strides = array<i32>} : memref<2x2x128xi32, #tpu.memory_space<vmem>>, vector<1x1x16xi32>,
        %add3A_858 = arith.constant 128 : i32
        %add3A_859 = arith.addi %min3A_430, %add3A_858 : i32
        %add3A_860 = arith.constant 96 : i32
        %add3A_861 = arith.addi %add3A_859, %add3A_860 : i32
        %add3A_862 = vector.broadcast %add3A_861 : i32 to vector<16xi32>
        %add3A_863 = arith.addi %add3A_862, %iota3A : vector<16xi32>
        %get3A_864 = arith.constant 1 : i32
        %get3A_865 = arith.index_cast %select_n3A_376 : i32 to index
        %get3A_866 = arith.index_cast %get3A_864 : i32 to index
        %get3A_867 = arith.constant 96 : index
        %get3A_868 = tpu.vector_load %arg7[%get3A_865, %get3A_866, %get3A_867] {strides = array<i32>} : memref<2x2x128xi32, #tpu.memory_space<vmem>>, vector<1x1x16xi32>,
        %get3A_869 = vector.shape_cast %get3A_868 : vector<1x1x16xi32> to vector<16xi32>
        %ge3A_870 = vector.broadcast %max3A : i32 to vector<16xi32>
        %ge3A_871 = arith.cmpi sge, %add3A_863, %ge3A_870 : vector<16xi32>
        %lt3A_872 = vector.broadcast %add3A_283 : i32 to vector<16xi32>
        %lt3A_873 = arith.cmpi slt, %add3A_863, %lt3A_872 : vector<16xi32>
        %and3A_874 = arith.andi %ge3A_871, %lt3A_873 : vector<16xi1>
        %sub3A_875 = vector.broadcast %mul3A_8 : i32 to vector<16xi32>
        %sub3A_876 = arith.subi %get3A_869, %sub3A_875 : vector<16xi32>
        %broadcast_in_dim3A_877 = vector.broadcast %add3A_19 : i32 to vector<16xi32>
        %select_n3A_878 = arith.select %and3A_874, %sub3A_876, %broadcast_in_dim3A_877 : vector<16xi1>, vector<16xi32>
        %swap3A_879 = arith.constant 1 : i32
        %swap3A_880 = arith.index_cast %select_n3A_376 : i32 to index
        %swap3A_881 = arith.index_cast %swap3A_879 : i32 to index
        %swap3A_882 = arith.constant 96 : index
        %swap3A_883 = tpu.vector_load %arg7[%swap3A_880, %swap3A_881, %swap3A_882] {strides = array<i32>} : memref<2x2x128xi32, #tpu.memory_space<vmem>>, vector<1x1x16xi32>,
        %swap3A_884 = vector.shape_cast %swap3A_883 : vector<1x1x16xi32> to vector<16xi32>
        %swap3A_885 = vector.shape_cast %select_n3A_878 : vector<16xi32> to vector<1x1x16xi32>
        tpu.vector_store %arg7[%swap3A_880, %swap3A_881, %swap3A_882], %swap3A_885 {strides = array<i32>} : memref<2x2x128xi32, #tpu.memory_space<vmem>>, vector<1x1x16xi32>,
        %add3A_886 = arith.constant 128 : i32
        %add3A_887 = arith.addi %min3A_430, %add3A_886 : i32
        %add3A_888 = arith.constant 112 : i32
        %add3A_889 = arith.addi %add3A_887, %add3A_888 : i32
        %add3A_890 = vector.broadcast %add3A_889 : i32 to vector<16xi32>
        %add3A_891 = arith.addi %add3A_890, %iota3A : vector<16xi32>
        %get3A_892 = arith.constant 1 : i32
        %get3A_893 = arith.index_cast %select_n3A_376 : i32 to index
        %get3A_894 = arith.index_cast %get3A_892 : i32 to index
        %get3A_895 = arith.constant 112 : index
        %get3A_896 = tpu.vector_load %arg7[%get3A_893, %get3A_894, %get3A_895] {strides = array<i32>} : memref<2x2x128xi32, #tpu.memory_space<vmem>>, vector<1x1x16xi32>,
        %get3A_897 = vector.shape_cast %get3A_896 : vector<1x1x16xi32> to vector<16xi32>
        %ge3A_898 = vector.broadcast %max3A : i32 to vector<16xi32>
        %ge3A_899 = arith.cmpi sge, %add3A_891, %ge3A_898 : vector<16xi32>
        %lt3A_900 = vector.broadcast %add3A_283 : i32 to vector<16xi32>
        %lt3A_901 = arith.cmpi slt, %add3A_891, %lt3A_900 : vector<16xi32>
        %and3A_902 = arith.andi %ge3A_899, %lt3A_901 : vector<16xi1>
        %sub3A_903 = vector.broadcast %mul3A_8 : i32 to vector<16xi32>
        %sub3A_904 = arith.subi %get3A_897, %sub3A_903 : vector<16xi32>
        %broadcast_in_dim3A_905 = vector.broadcast %add3A_19 : i32 to vector<16xi32>
        %select_n3A_906 = arith.select %and3A_902, %sub3A_904, %broadcast_in_dim3A_905 : vector<16xi1>, vector<16xi32>
        %swap3A_907 = arith.constant 1 : i32
        %swap3A_908 = arith.index_cast %select_n3A_376 : i32 to index
        %swap3A_909 = arith.index_cast %swap3A_907 : i32 to index
        %swap3A_910 = arith.constant 112 : index
        %swap3A_911 = tpu.vector_load %arg7[%swap3A_908, %swap3A_909, %swap3A_910] {strides = array<i32>} : memref<2x2x128xi32, #tpu.memory_space<vmem>>, vector<1x1x16xi32>,
        %swap3A_912 = vector.shape_cast %swap3A_911 : vector<1x1x16xi32> to vector<16xi32>
        %swap3A_913 = vector.shape_cast %select_n3A_906 : vector<16xi32> to vector<1x1x16xi32>
        tpu.vector_store %arg7[%swap3A_908, %swap3A_909, %swap3A_910], %swap3A_913 {strides = array<i32>} : memref<2x2x128xi32, #tpu.memory_space<vmem>>, vector<1x1x16xi32>,
      } else {
      }
      %dma_start3A_445 = arith.constant 0 : i32
      %dma_start3A_446 = arith.constant 0 : i32
      %dma_start3A_447 = arith.constant 0 : i32
      %dma_start3A_448 = tpu.memref_slice %arg6[%select_n3A_376, %dma_start3A_446, %dma_start3A_447] : memref<2x256x128xf32, #tpu.memory_space<vmem>> -> memref<1x128x128xf32, #tpu.memory_space<vmem>>
      %dma_start3A_449 = tpu.memref_squeeze %dma_start3A_448 : memref<1x128x128xf32, #tpu.memory_space<vmem>> -> memref<128x128xf32, #tpu.memory_space<vmem>>
      %dma_start3A_450 = arith.constant 0 : i32
      %dma_start3A_451 = tpu.memref_slice %arg7[%select_n3A_376, %dma_start3A_445, %dma_start3A_450] : memref<2x2x128xi32, #tpu.memory_space<vmem>> -> memref<1x1x128xi32, #tpu.memory_space<vmem>>
      %dma_start3A_452 = tpu.memref_squeeze %dma_start3A_451 : memref<1x1x128xi32, #tpu.memory_space<vmem>> -> memref<128xi32, #tpu.memory_space<vmem>>
      %dma_start3A_453 = arith.constant 0 : i32
      %dma_start3A_454 = arith.constant 0 : i32
      %dma_start3A_455 = tpu.memref_slice %arg10[%dma_start3A_453, %dma_start3A_454] : memref<5128x128xf32, #tpu.memory_space<vmem_shared>> -> memref<5128x128xf32, #tpu.memory_space<vmem_shared>>
      tpu.enqueue_indirect_dma source(%dma_start3A_449 : memref<128x128xf32, #tpu.memory_space<vmem>>) target(%dma_start3A_455 : memref<5128x128xf32, #tpu.memory_space<vmem_shared>>) offsets(%dma_start3A_452 : memref<128xi32, #tpu.memory_space<vmem>>) semaphore(%arg12 : memref<!tpu.dma_semaphore, #tpu.memory_space<semaphore_mem>>) {add = true}
      %dma_start3A_456 = arith.constant 1 : i32
      %dma_start3A_457 = arith.constant 128 : i32
      %dma_start3A_458 = arith.constant 0 : i32
      %dma_start3A_459 = tpu.memref_slice %arg6[%select_n3A_376, %dma_start3A_457, %dma_start3A_458] : memref<2x256x128xf32, #tpu.memory_space<vmem>> -> memref<1x128x128xf32, #tpu.memory_space<vmem>>
      %dma_start3A_460 = tpu.memref_squeeze %dma_start3A_459 : memref<1x128x128xf32, #tpu.memory_space<vmem>> -> memref<128x128xf32, #tpu.memory_space<vmem>>
      %dma_start3A_461 = arith.constant 0 : i32
      %dma_start3A_462 = tpu.memref_slice %arg7[%select_n3A_376, %dma_start3A_456, %dma_start3A_461] : memref<2x2x128xi32, #tpu.memory_space<vmem>> -> memref<1x1x128xi32, #tpu.memory_space<vmem>>
      %dma_start3A_463 = tpu.memref_squeeze %dma_start3A_462 : memref<1x1x128xi32, #tpu.memory_space<vmem>> -> memref<128xi32, #tpu.memory_space<vmem>>
      %dma_start3A_464 = arith.constant 0 : i32
      %dma_start3A_465 = arith.constant 0 : i32
      %dma_start3A_466 = tpu.memref_slice %arg10[%dma_start3A_464, %dma_start3A_465] : memref<5128x128xf32, #tpu.memory_space<vmem_shared>> -> memref<5128x128xf32, #tpu.memory_space<vmem_shared>>
      tpu.enqueue_indirect_dma source(%dma_start3A_460 : memref<128x128xf32, #tpu.memory_space<vmem>>) target(%dma_start3A_466 : memref<5128x128xf32, #tpu.memory_space<vmem_shared>>) offsets(%dma_start3A_463 : memref<128xi32, #tpu.memory_space<vmem>>) semaphore(%arg12 : memref<!tpu.dma_semaphore, #tpu.memory_space<semaphore_mem>>) {add = true}
      %while3A_467 = arith.constant 0 : i32
      scf.yield %while3A_467 : i32
    }
    %while3A_352 = arith.constant 1 : i32
    %while3A_353 = scf.for %while3A_359 = %while3A_349 to %while3A_345 step %while3A_352 iter_args(%while3A_360 = %while3A_351) -> (i32)  : i32 {
      %jit3A_361 = arith.constant 2 : i32
      %eq3A_362 = arith.constant 0 : i32
      %eq3A_363 = arith.cmpi eq, %jit3A_361, %eq3A_362 : i32
      %jit3A_364 = arith.constant 1 : i32
      %select_n3A_365 = arith.select %eq3A_363, %jit3A_364, %jit3A_361 : i32
      %rem3A_366 = arith.remsi %while3A_359, %select_n3A_365 : i32
      %ne3A_367 = arith.constant 0 : i32
      %ne3A_368 = arith.cmpi ne, %rem3A_366, %ne3A_367 : i32
      %lt3A_369 = arith.constant 0 : i32
      %lt3A_370 = arith.cmpi slt, %rem3A_366, %lt3A_369 : i32
      %lt3A_371 = arith.constant 0 : i32
      %lt3A_372 = arith.cmpi slt, %select_n3A_365, %lt3A_371 : i32
      %ne3A_373 = arith.xori %lt3A_370, %lt3A_372 : i1
      %and3A_374 = arith.andi %ne3A_373, %ne3A_368 : i1
      %add3A_375 = arith.addi %rem3A_366, %select_n3A_365 : i32
      %select_n3A_376 = arith.select %and3A_374, %add3A_375, %rem3A_366 : i32
      %mul3A_377 = arith.constant 256 : i32
      %mul3A_378 = arith.muli %while3A_359, %mul3A_377 : i32
      %add3A_379 = arith.addi %mul3A_311, %mul3A_378 : i32
      %min3A_380 = arith.constant 319744 : i32
      %min3A_381 = arith.minsi %add3A_379, %min3A_380 : i32
      %dma_wait3A_382 = arith.constant 0 : i32
      %dma_wait3A_383 = arith.constant 0 : i32
      %dma_wait3A_384 = tpu.memref_slice %arg6[%select_n3A_376, %dma_wait3A_382, %dma_wait3A_383] : memref<2x256x128xf32, #tpu.memory_space<vmem>> -> memref<1x256x128xf32, #tpu.memory_space<vmem>>
      %dma_wait3A_385 = tpu.memref_squeeze %dma_wait3A_384 : memref<1x256x128xf32, #tpu.memory_space<vmem>> -> memref<256x128xf32, #tpu.memory_space<vmem>>
      %dma_wait3A_386 = arith.constant 0 : i32
      %dma_wait3A_387 = tpu.memref_slice %arg2[%min3A_381, %dma_wait3A_386] : memref<320000x128xf32, #tpu.memory_space<hbm>> -> memref<256x128xf32, #tpu.memory_space<hbm>>
      %dma_wait3A_388 = arith.constant 0 : i32
      %dma_wait3A_389 = arith.constant 0 : i32
      %dma_wait3A_390 = tpu.memref_slice %arg6[%select_n3A_376, %dma_wait3A_388, %dma_wait3A_389] : memref<2x256x128xf32, #tpu.memory_space<vmem>> -> memref<1x256x128xf32, #tpu.memory_space<vmem>>
      %dma_wait3A_391 = tpu.memref_squeeze %dma_wait3A_390 : memref<1x256x128xf32, #tpu.memory_space<vmem>> -> memref<256x128xf32, #tpu.memory_space<vmem>>
      %dma_wait3A_392 = arith.constant 0 : i32
      %dma_wait3A_393 = tpu.memref_slice %arg2[%min3A_381, %dma_wait3A_392] : memref<320000x128xf32, #tpu.memory_space<hbm>> -> memref<256x128xf32, #tpu.memory_space<hbm>>
      tpu.wait_dma2 semaphore(%arg11 : memref<!tpu.dma_semaphore, #tpu.memory_space<semaphore_mem>>) src(%dma_wait3A_393 : memref<256x128xf32, #tpu.memory_space<hbm>>) dst(%dma_wait3A_391 : memref<256x128xf32, #tpu.memory_space<vmem>>)
      %add3A_394 = arith.constant 0 : i32
      %add3A_395 = arith.addi %min3A_381, %add3A_394 : i32
      %dma_wait3A_396 = arith.constant 0 : i32
      %dma_wait3A_397 = arith.constant 0 : i32
      %dma_wait3A_398 = tpu.memref_slice %arg7[%select_n3A_376, %dma_wait3A_396, %dma_wait3A_397] : memref<2x2x128xi32, #tpu.memory_space<vmem>> -> memref<1x1x128xi32, #tpu.memory_space<vmem>>
      %dma_wait3A_399 = tpu.memref_squeeze %dma_wait3A_398 : memref<1x1x128xi32, #tpu.memory_space<vmem>> -> memref<128xi32, #tpu.memory_space<vmem>>
      %dma_wait3A_400 = tpu.memref_slice %arg3[%add3A_395] : memref<320000xi32, #tpu.memory_space<hbm>> -> memref<128xi32, #tpu.memory_space<hbm>>
      %dma_wait3A_401 = arith.constant 0 : i32
      %dma_wait3A_402 = tpu.memref_slice %arg7[%select_n3A_376, %dma_wait3A_396, %dma_wait3A_401] : memref<2x2x128xi32, #tpu.memory_space<vmem>> -> memref<1x1x128xi32, #tpu.memory_space<vmem>>
      %dma_wait3A_403 = tpu.memref_squeeze %dma_wait3A_402 : memref<1x1x128xi32, #tpu.memory_space<vmem>> -> memref<128xi32, #tpu.memory_space<vmem>>
      %dma_wait3A_404 = tpu.memref_slice %arg3[%add3A_395] : memref<320000xi32, #tpu.memory_space<hbm>> -> memref<128xi32, #tpu.memory_space<hbm>>
      tpu.wait_dma2 semaphore(%arg11 : memref<!tpu.dma_semaphore, #tpu.memory_space<semaphore_mem>>) src(%dma_wait3A_404 : memref<128xi32, #tpu.memory_space<hbm>>) dst(%dma_wait3A_403 : memref<128xi32, #tpu.memory_space<vmem>>)
      %add3A_405 = arith.constant 128 : i32
      %add3A_406 = arith.addi %min3A_381, %add3A_405 : i32
      %dma_wait3A_407 = arith.constant 1 : i32
      %dma_wait3A_408 = arith.constant 0 : i32
      %dma_wait3A_409 = tpu.memref_slice %arg7[%select_n3A_376, %dma_wait3A_407, %dma_wait3A_408] : memref<2x2x128xi32, #tpu.memory_space<vmem>> -> memref<1x1x128xi32, #tpu.memory_space<vmem>>
      %dma_wait3A_410 = tpu.memref_squeeze %dma_wait3A_409 : memref<1x1x128xi32, #tpu.memory_space<vmem>> -> memref<128xi32, #tpu.memory_space<vmem>>
      %dma_wait3A_411 = tpu.memref_slice %arg3[%add3A_406] : memref<320000xi32, #tpu.memory_space<hbm>> -> memref<128xi32, #tpu.memory_space<hbm>>
      %dma_wait3A_412 = arith.constant 0 : i32
      %dma_wait3A_413 = tpu.memref_slice %arg7[%select_n3A_376, %dma_wait3A_407, %dma_wait3A_412] : memref<2x2x128xi32, #tpu.memory_space<vmem>> -> memref<1x1x128xi32, #tpu.memory_space<vmem>>
      %dma_wait3A_414 = tpu.memref_squeeze %dma_wait3A_413 : memref<1x1x128xi32, #tpu.memory_space<vmem>> -> memref<128xi32, #tpu.memory_space<vmem>>
      %dma_wait3A_415 = tpu.memref_slice %arg3[%add3A_406] : memref<320000xi32, #tpu.memory_space<hbm>> -> memref<128xi32, #tpu.memory_space<hbm>>
      tpu.wait_dma2 semaphore(%arg11 : memref<!tpu.dma_semaphore, #tpu.memory_space<semaphore_mem>>) src(%dma_wait3A_415 : memref<128xi32, #tpu.memory_space<hbm>>) dst(%dma_wait3A_414 : memref<128xi32, #tpu.memory_space<vmem>>)
      %ge3A = arith.constant 1 : i32
      %ge3A_416 = arith.cmpi sge, %while3A_359, %ge3A : i32
      %convert_element_type3A_417 = arith.extui %ge3A_416 : i1 to i32
      %cond3A_418 = arith.constant 0 : i32
      %cond3A_419 = arith.cmpi ne, %convert_element_type3A_417, %cond3A_418 : i32
      scf.if %cond3A_419 {
        %sub3A_468 = arith.constant 1 : i32
        %sub3A_469 = arith.subi %sub3A_468, %select_n3A_376 : i32
        %dma_wait3A_470 = arith.constant 0 : i32
        %dma_wait3A_471 = arith.constant 0 : i32
        %dma_wait3A_472 = arith.constant 0 : i32
        %dma_wait3A_473 = tpu.memref_slice %arg6[%sub3A_469, %dma_wait3A_471, %dma_wait3A_472] : memref<2x256x128xf32, #tpu.memory_space<vmem>> -> memref<1x128x128xf32, #tpu.memory_space<vmem>>
        %dma_wait3A_474 = tpu.memref_squeeze %dma_wait3A_473 : memref<1x128x128xf32, #tpu.memory_space<vmem>> -> memref<128x128xf32, #tpu.memory_space<vmem>>
        %dma_wait3A_475 = arith.constant 0 : i32
        %dma_wait3A_476 = tpu.memref_slice %arg7[%sub3A_469, %dma_wait3A_470, %dma_wait3A_475] : memref<2x2x128xi32, #tpu.memory_space<vmem>> -> memref<1x1x128xi32, #tpu.memory_space<vmem>>
        %dma_wait3A_477 = tpu.memref_squeeze %dma_wait3A_476 : memref<1x1x128xi32, #tpu.memory_space<vmem>> -> memref<128xi32, #tpu.memory_space<vmem>>
        %dma_wait3A_478 = arith.constant 0 : i32
        %dma_wait3A_479 = arith.constant 0 : i32
        %dma_wait3A_480 = tpu.memref_slice %arg10[%dma_wait3A_478, %dma_wait3A_479] : memref<5128x128xf32, #tpu.memory_space<vmem_shared>> -> memref<5128x128xf32, #tpu.memory_space<vmem_shared>>
        tpu.wait_indirect_dma semaphore(%arg12 : memref<!tpu.dma_semaphore, #tpu.memory_space<semaphore_mem>>) src(%dma_wait3A_474 : memref<128x128xf32, #tpu.memory_space<vmem>>) dst(%dma_wait3A_480 : memref<5128x128xf32, #tpu.memory_space<vmem_shared>>)
        %dma_wait3A_481 = arith.constant 1 : i32
        %dma_wait3A_482 = arith.constant 128 : i32
        %dma_wait3A_483 = arith.constant 0 : i32
        %dma_wait3A_484 = tpu.memref_slice %arg6[%sub3A_469, %dma_wait3A_482, %dma_wait3A_483] : memref<2x256x128xf32, #tpu.memory_space<vmem>> -> memref<1x128x128xf32, #tpu.memory_space<vmem>>
        %dma_wait3A_485 = tpu.memref_squeeze %dma_wait3A_484 : memref<1x128x128xf32, #tpu.memory_space<vmem>> -> memref<128x128xf32, #tpu.memory_space<vmem>>
        %dma_wait3A_486 = arith.constant 0 : i32
        %dma_wait3A_487 = tpu.memref_slice %arg7[%sub3A_469, %dma_wait3A_481, %dma_wait3A_486] : memref<2x2x128xi32, #tpu.memory_space<vmem>> -> memref<1x1x128xi32, #tpu.memory_space<vmem>>
        %dma_wait3A_488 = tpu.memref_squeeze %dma_wait3A_487 : memref<1x1x128xi32, #tpu.memory_space<vmem>> -> memref<128xi32, #tpu.memory_space<vmem>>
        %dma_wait3A_489 = arith.constant 0 : i32
        %dma_wait3A_490 = arith.constant 0 : i32
        %dma_wait3A_491 = tpu.memref_slice %arg10[%dma_wait3A_489, %dma_wait3A_490] : memref<5128x128xf32, #tpu.memory_space<vmem_shared>> -> memref<5128x128xf32, #tpu.memory_space<vmem_shared>>
        tpu.wait_indirect_dma semaphore(%arg12 : memref<!tpu.dma_semaphore, #tpu.memory_space<semaphore_mem>>) src(%dma_wait3A_485 : memref<128x128xf32, #tpu.memory_space<vmem>>) dst(%dma_wait3A_491 : memref<5128x128xf32, #tpu.memory_space<vmem_shared>>)
      } else {
      }
      %add3A_420 = arith.constant 1 : i32
      %add3A_421 = arith.addi %while3A_359, %add3A_420 : i32
      %lt3A_422 = arith.cmpi slt, %add3A_421, %select_n3A_340 : i32
      %convert_element_type3A_423 = arith.extui %lt3A_422 : i1 to i32
      %cond3A_424 = arith.constant 0 : i32
      %cond3A_425 = arith.cmpi ne, %convert_element_type3A_423, %cond3A_424 : i32
      scf.if %cond3A_425 {
        %add3A_468 = arith.constant 1 : i32
        %add3A_469 = arith.addi %while3A_359, %add3A_468 : i32
        %sub3A_470 = arith.constant 1 : i32
        %sub3A_471 = arith.subi %sub3A_470, %select_n3A_376 : i32
        %mul3A_472 = arith.constant 256 : i32
        %mul3A_473 = arith.muli %add3A_469, %mul3A_472 : i32
        %add3A_474 = arith.addi %mul3A_311, %mul3A_473 : i32
        %min3A_475 = arith.constant 319744 : i32
        %min3A_476 = arith.minsi %add3A_474, %min3A_475 : i32
        %dma_start3A_477 = arith.constant 0 : i32
        %dma_start3A_478 = arith.constant 0 : i32
        %dma_start3A_479 = tpu.memref_slice %arg6[%sub3A_471, %dma_start3A_477, %dma_start3A_478] : memref<2x256x128xf32, #tpu.memory_space<vmem>> -> memref<1x256x128xf32, #tpu.memory_space<vmem>>
        %dma_start3A_480 = tpu.memref_squeeze %dma_start3A_479 : memref<1x256x128xf32, #tpu.memory_space<vmem>> -> memref<256x128xf32, #tpu.memory_space<vmem>>
        %dma_start3A_481 = arith.constant 0 : i32
        %dma_start3A_482 = tpu.memref_slice %arg2[%min3A_476, %dma_start3A_481] : memref<320000x128xf32, #tpu.memory_space<hbm>> -> memref<256x128xf32, #tpu.memory_space<hbm>>
        %dma_start3A_483 = arith.constant 0 : i32
        %dma_start3A_484 = arith.constant 0 : i32
        %dma_start3A_485 = tpu.memref_slice %arg6[%sub3A_471, %dma_start3A_483, %dma_start3A_484] : memref<2x256x128xf32, #tpu.memory_space<vmem>> -> memref<1x256x128xf32, #tpu.memory_space<vmem>>
        %dma_start3A_486 = tpu.memref_squeeze %dma_start3A_485 : memref<1x256x128xf32, #tpu.memory_space<vmem>> -> memref<256x128xf32, #tpu.memory_space<vmem>>
        %dma_start3A_487 = arith.constant 0 : i32
        %dma_start3A_488 = tpu.memref_slice %arg2[%min3A_476, %dma_start3A_487] : memref<320000x128xf32, #tpu.memory_space<hbm>> -> memref<256x128xf32, #tpu.memory_space<hbm>>
        tpu.enqueue_dma source(%dma_start3A_488 : memref<256x128xf32, #tpu.memory_space<hbm>>) target(%dma_start3A_486 : memref<256x128xf32, #tpu.memory_space<vmem>>) target_semaphore(%arg11 : memref<!tpu.dma_semaphore, #tpu.memory_space<semaphore_mem>>)
        %add3A_489 = arith.constant 0 : i32
        %add3A_490 = arith.addi %min3A_476, %add3A_489 : i32
        %dma_start3A_491 = arith.constant 0 : i32
        %dma_start3A_492 = arith.constant 0 : i32
        %dma_start3A_493 = tpu.memref_slice %arg7[%sub3A_471, %dma_start3A_491, %dma_start3A_492] : memref<2x2x128xi32, #tpu.memory_space<vmem>> -> memref<1x1x128xi32, #tpu.memory_space<vmem>>
        %dma_start3A_494 = tpu.memref_squeeze %dma_start3A_493 : memref<1x1x128xi32, #tpu.memory_space<vmem>> -> memref<128xi32, #tpu.memory_space<vmem>>
        %dma_start3A_495 = tpu.memref_slice %arg3[%add3A_490] : memref<320000xi32, #tpu.memory_space<hbm>> -> memref<128xi32, #tpu.memory_space<hbm>>
        %dma_start3A_496 = arith.constant 0 : i32
        %dma_start3A_497 = tpu.memref_slice %arg7[%sub3A_471, %dma_start3A_491, %dma_start3A_496] : memref<2x2x128xi32, #tpu.memory_space<vmem>> -> memref<1x1x128xi32, #tpu.memory_space<vmem>>
        %dma_start3A_498 = tpu.memref_squeeze %dma_start3A_497 : memref<1x1x128xi32, #tpu.memory_space<vmem>> -> memref<128xi32, #tpu.memory_space<vmem>>
        %dma_start3A_499 = tpu.memref_slice %arg3[%add3A_490] : memref<320000xi32, #tpu.memory_space<hbm>> -> memref<128xi32, #tpu.memory_space<hbm>>
        tpu.enqueue_dma source(%dma_start3A_499 : memref<128xi32, #tpu.memory_space<hbm>>) target(%dma_start3A_498 : memref<128xi32, #tpu.memory_space<vmem>>) target_semaphore(%arg11 : memref<!tpu.dma_semaphore, #tpu.memory_space<semaphore_mem>>)
        %add3A_500 = arith.constant 128 : i32
        %add3A_501 = arith.addi %min3A_476, %add3A_500 : i32
        %dma_start3A_502 = arith.constant 1 : i32
        %dma_start3A_503 = arith.constant 0 : i32
        %dma_start3A_504 = tpu.memref_slice %arg7[%sub3A_471, %dma_start3A_502, %dma_start3A_503] : memref<2x2x128xi32, #tpu.memory_space<vmem>> -> memref<1x1x128xi32, #tpu.memory_space<vmem>>
        %dma_start3A_505 = tpu.memref_squeeze %dma_start3A_504 : memref<1x1x128xi32, #tpu.memory_space<vmem>> -> memref<128xi32, #tpu.memory_space<vmem>>
        %dma_start3A_506 = tpu.memref_slice %arg3[%add3A_501] : memref<320000xi32, #tpu.memory_space<hbm>> -> memref<128xi32, #tpu.memory_space<hbm>>
        %dma_start3A_507 = arith.constant 0 : i32
        %dma_start3A_508 = tpu.memref_slice %arg7[%sub3A_471, %dma_start3A_502, %dma_start3A_507] : memref<2x2x128xi32, #tpu.memory_space<vmem>> -> memref<1x1x128xi32, #tpu.memory_space<vmem>>
        %dma_start3A_509 = tpu.memref_squeeze %dma_start3A_508 : memref<1x1x128xi32, #tpu.memory_space<vmem>> -> memref<128xi32, #tpu.memory_space<vmem>>
        %dma_start3A_510 = tpu.memref_slice %arg3[%add3A_501] : memref<320000xi32, #tpu.memory_space<hbm>> -> memref<128xi32, #tpu.memory_space<hbm>>
        tpu.enqueue_dma source(%dma_start3A_510 : memref<128xi32, #tpu.memory_space<hbm>>) target(%dma_start3A_509 : memref<128xi32, #tpu.memory_space<vmem>>) target_semaphore(%arg11 : memref<!tpu.dma_semaphore, #tpu.memory_space<semaphore_mem>>)
      } else {
      }
      %mul3A_426 = arith.constant 256 : i32
      %mul3A_427 = arith.muli %while3A_359, %mul3A_426 : i32
      %add3A_428 = arith.addi %mul3A_311, %mul3A_427 : i32
      %min3A_429 = arith.constant 319744 : i32
      %min3A_430 = arith.minsi %add3A_428, %min3A_429 : i32
      %mul3A_431 = arith.constant 256 : i32
      %mul3A_432 = arith.muli %while3A_359, %mul3A_431 : i32
      %add3A_433 = arith.addi %mul3A_311, %mul3A_432 : i32
      %max3A = arith.maxsi %add3A_280, %add3A_433 : i32
      %le3A = arith.cmpi sle, %max3A, %min3A_430 : i32
      %add3A_434 = arith.constant 256 : i32
      %add3A_435 = arith.addi %min3A_430, %add3A_434 : i32
      %le3A_436 = arith.cmpi sle, %add3A_435, %add3A_283 : i32
      %and3A_437 = arith.andi %le3A, %le3A_436 : i1
      %eq3A_438 = arith.constant 0 : i32
      %eq3A_439 = arith.cmpi eq, %mul3A_8, %eq3A_438 : i32
      %and3A_440 = arith.andi %and3A_437, %eq3A_439 : i1
      %not3A = arith.constant true
      %not3A_441 = arith.xori %and3A_440, %not3A : i1
      %convert_element_type3A_442 = arith.extui %not3A_441 : i1 to i32
      %cond3A_443 = arith.constant 0 : i32
      %cond3A_444 = arith.cmpi ne, %convert_element_type3A_442, %cond3A_443 : i32
      scf.if %cond3A_444 {
        %add3A_468 = arith.constant 0 : i32
        %add3A_469 = arith.addi %min3A_430, %add3A_468 : i32
        %add3A_470 = arith.constant 0 : i32
        %add3A_471 = arith.addi %add3A_469, %add3A_470 : i32
        %add3A_472 = vector.broadcast %add3A_471 : i32 to vector<16xi32>
        %add3A_473 = arith.addi %add3A_472, %iota3A : vector<16xi32>
        %get3A_474 = arith.constant 0 : i32
        %get3A_475 = arith.index_cast %select_n3A_376 : i32 to index
        %get3A_476 = arith.index_cast %get3A_474 : i32 to index
        %get3A_477 = arith.constant 0 : index
        %get3A_478 = tpu.vector_load %arg7[%get3A_475, %get3A_476, %get3A_477] {strides = array<i32>} : memref<2x2x128xi32, #tpu.memory_space<vmem>>, vector<1x1x16xi32>,
        %get3A_479 = vector.shape_cast %get3A_478 : vector<1x1x16xi32> to vector<16xi32>
        %ge3A_480 = vector.broadcast %max3A : i32 to vector<16xi32>
        %ge3A_481 = arith.cmpi sge, %add3A_473, %ge3A_480 : vector<16xi32>
        %lt3A_482 = vector.broadcast %add3A_283 : i32 to vector<16xi32>
        %lt3A_483 = arith.cmpi slt, %add3A_473, %lt3A_482 : vector<16xi32>
        %and3A_484 = arith.andi %ge3A_481, %lt3A_483 : vector<16xi1>
        %sub3A_485 = vector.broadcast %mul3A_8 : i32 to vector<16xi32>
        %sub3A_486 = arith.subi %get3A_479, %sub3A_485 : vector<16xi32>
        %broadcast_in_dim3A = vector.broadcast %add3A_19 : i32 to vector<16xi32>
        %select_n3A_487 = arith.select %and3A_484, %sub3A_486, %broadcast_in_dim3A : vector<16xi1>, vector<16xi32>
        %swap3A = arith.constant 0 : i32
        %swap3A_488 = arith.index_cast %select_n3A_376 : i32 to index
        %swap3A_489 = arith.index_cast %swap3A : i32 to index
        %swap3A_490 = arith.constant 0 : index
        %swap3A_491 = tpu.vector_load %arg7[%swap3A_488, %swap3A_489, %swap3A_490] {strides = array<i32>} : memref<2x2x128xi32, #tpu.memory_space<vmem>>, vector<1x1x16xi32>,
        %swap3A_492 = vector.shape_cast %swap3A_491 : vector<1x1x16xi32> to vector<16xi32>
        %swap3A_493 = vector.shape_cast %select_n3A_487 : vector<16xi32> to vector<1x1x16xi32>
        tpu.vector_store %arg7[%swap3A_488, %swap3A_489, %swap3A_490], %swap3A_493 {strides = array<i32>} : memref<2x2x128xi32, #tpu.memory_space<vmem>>, vector<1x1x16xi32>,
        %add3A_494 = arith.constant 0 : i32
        %add3A_495 = arith.addi %min3A_430, %add3A_494 : i32
        %add3A_496 = arith.constant 16 : i32
        %add3A_497 = arith.addi %add3A_495, %add3A_496 : i32
        %add3A_498 = vector.broadcast %add3A_497 : i32 to vector<16xi32>
        %add3A_499 = arith.addi %add3A_498, %iota3A : vector<16xi32>
        %get3A_500 = arith.constant 0 : i32
        %get3A_501 = arith.index_cast %select_n3A_376 : i32 to index
        %get3A_502 = arith.index_cast %get3A_500 : i32 to index
        %get3A_503 = arith.constant 16 : index
        %get3A_504 = tpu.vector_load %arg7[%get3A_501, %get3A_502, %get3A_503] {strides = array<i32>} : memref<2x2x128xi32, #tpu.memory_space<vmem>>, vector<1x1x16xi32>,
        %get3A_505 = vector.shape_cast %get3A_504 : vector<1x1x16xi32> to vector<16xi32>
        %ge3A_506 = vector.broadcast %max3A : i32 to vector<16xi32>
        %ge3A_507 = arith.cmpi sge, %add3A_499, %ge3A_506 : vector<16xi32>
        %lt3A_508 = vector.broadcast %add3A_283 : i32 to vector<16xi32>
        %lt3A_509 = arith.cmpi slt, %add3A_499, %lt3A_508 : vector<16xi32>
        %and3A_510 = arith.andi %ge3A_507, %lt3A_509 : vector<16xi1>
        %sub3A_511 = vector.broadcast %mul3A_8 : i32 to vector<16xi32>
        %sub3A_512 = arith.subi %get3A_505, %sub3A_511 : vector<16xi32>
        %broadcast_in_dim3A_513 = vector.broadcast %add3A_19 : i32 to vector<16xi32>
        %select_n3A_514 = arith.select %and3A_510, %sub3A_512, %broadcast_in_dim3A_513 : vector<16xi1>, vector<16xi32>
        %swap3A_515 = arith.constant 0 : i32
        %swap3A_516 = arith.index_cast %select_n3A_376 : i32 to index
        %swap3A_517 = arith.index_cast %swap3A_515 : i32 to index
        %swap3A_518 = arith.constant 16 : index
        %swap3A_519 = tpu.vector_load %arg7[%swap3A_516, %swap3A_517, %swap3A_518] {strides = array<i32>} : memref<2x2x128xi32, #tpu.memory_space<vmem>>, vector<1x1x16xi32>,
        %swap3A_520 = vector.shape_cast %swap3A_519 : vector<1x1x16xi32> to vector<16xi32>
        %swap3A_521 = vector.shape_cast %select_n3A_514 : vector<16xi32> to vector<1x1x16xi32>
        tpu.vector_store %arg7[%swap3A_516, %swap3A_517, %swap3A_518], %swap3A_521 {strides = array<i32>} : memref<2x2x128xi32, #tpu.memory_space<vmem>>, vector<1x1x16xi32>,
        %add3A_522 = arith.constant 0 : i32
        %add3A_523 = arith.addi %min3A_430, %add3A_522 : i32
        %add3A_524 = arith.constant 32 : i32
        %add3A_525 = arith.addi %add3A_523, %add3A_524 : i32
        %add3A_526 = vector.broadcast %add3A_525 : i32 to vector<16xi32>
        %add3A_527 = arith.addi %add3A_526, %iota3A : vector<16xi32>
        %get3A_528 = arith.constant 0 : i32
        %get3A_529 = arith.index_cast %select_n3A_376 : i32 to index
        %get3A_530 = arith.index_cast %get3A_528 : i32 to index
        %get3A_531 = arith.constant 32 : index
        %get3A_532 = tpu.vector_load %arg7[%get3A_529, %get3A_530, %get3A_531] {strides = array<i32>} : memref<2x2x128xi32, #tpu.memory_space<vmem>>, vector<1x1x16xi32>,
        %get3A_533 = vector.shape_cast %get3A_532 : vector<1x1x16xi32> to vector<16xi32>
        %ge3A_534 = vector.broadcast %max3A : i32 to vector<16xi32>
        %ge3A_535 = arith.cmpi sge, %add3A_527, %ge3A_534 : vector<16xi32>
        %lt3A_536 = vector.broadcast %add3A_283 : i32 to vector<16xi32>
        %lt3A_537 = arith.cmpi slt, %add3A_527, %lt3A_536 : vector<16xi32>
        %and3A_538 = arith.andi %ge3A_535, %lt3A_537 : vector<16xi1>
        %sub3A_539 = vector.broadcast %mul3A_8 : i32 to vector<16xi32>
        %sub3A_540 = arith.subi %get3A_533, %sub3A_539 : vector<16xi32>
        %broadcast_in_dim3A_541 = vector.broadcast %add3A_19 : i32 to vector<16xi32>
        %select_n3A_542 = arith.select %and3A_538, %sub3A_540, %broadcast_in_dim3A_541 : vector<16xi1>, vector<16xi32>
        %swap3A_543 = arith.constant 0 : i32
        %swap3A_544 = arith.index_cast %select_n3A_376 : i32 to index
        %swap3A_545 = arith.index_cast %swap3A_543 : i32 to index
        %swap3A_546 = arith.constant 32 : index
        %swap3A_547 = tpu.vector_load %arg7[%swap3A_544, %swap3A_545, %swap3A_546] {strides = array<i32>} : memref<2x2x128xi32, #tpu.memory_space<vmem>>, vector<1x1x16xi32>,
        %swap3A_548 = vector.shape_cast %swap3A_547 : vector<1x1x16xi32> to vector<16xi32>
        %swap3A_549 = vector.shape_cast %select_n3A_542 : vector<16xi32> to vector<1x1x16xi32>
        tpu.vector_store %arg7[%swap3A_544, %swap3A_545, %swap3A_546], %swap3A_549 {strides = array<i32>} : memref<2x2x128xi32, #tpu.memory_space<vmem>>, vector<1x1x16xi32>,
        %add3A_550 = arith.constant 0 : i32
        %add3A_551 = arith.addi %min3A_430, %add3A_550 : i32
        %add3A_552 = arith.constant 48 : i32
        %add3A_553 = arith.addi %add3A_551, %add3A_552 : i32
        %add3A_554 = vector.broadcast %add3A_553 : i32 to vector<16xi32>
        %add3A_555 = arith.addi %add3A_554, %iota3A : vector<16xi32>
        %get3A_556 = arith.constant 0 : i32
        %get3A_557 = arith.index_cast %select_n3A_376 : i32 to index
        %get3A_558 = arith.index_cast %get3A_556 : i32 to index
        %get3A_559 = arith.constant 48 : index
        %get3A_560 = tpu.vector_load %arg7[%get3A_557, %get3A_558, %get3A_559] {strides = array<i32>} : memref<2x2x128xi32, #tpu.memory_space<vmem>>, vector<1x1x16xi32>,
        %get3A_561 = vector.shape_cast %get3A_560 : vector<1x1x16xi32> to vector<16xi32>
        %ge3A_562 = vector.broadcast %max3A : i32 to vector<16xi32>
        %ge3A_563 = arith.cmpi sge, %add3A_555, %ge3A_562 : vector<16xi32>
        %lt3A_564 = vector.broadcast %add3A_283 : i32 to vector<16xi32>
        %lt3A_565 = arith.cmpi slt, %add3A_555, %lt3A_564 : vector<16xi32>
        %and3A_566 = arith.andi %ge3A_563, %lt3A_565 : vector<16xi1>
        %sub3A_567 = vector.broadcast %mul3A_8 : i32 to vector<16xi32>
        %sub3A_568 = arith.subi %get3A_561, %sub3A_567 : vector<16xi32>
        %broadcast_in_dim3A_569 = vector.broadcast %add3A_19 : i32 to vector<16xi32>
        %select_n3A_570 = arith.select %and3A_566, %sub3A_568, %broadcast_in_dim3A_569 : vector<16xi1>, vector<16xi32>
        %swap3A_571 = arith.constant 0 : i32
        %swap3A_572 = arith.index_cast %select_n3A_376 : i32 to index
        %swap3A_573 = arith.index_cast %swap3A_571 : i32 to index
        %swap3A_574 = arith.constant 48 : index
        %swap3A_575 = tpu.vector_load %arg7[%swap3A_572, %swap3A_573, %swap3A_574] {strides = array<i32>} : memref<2x2x128xi32, #tpu.memory_space<vmem>>, vector<1x1x16xi32>,
        %swap3A_576 = vector.shape_cast %swap3A_575 : vector<1x1x16xi32> to vector<16xi32>
        %swap3A_577 = vector.shape_cast %select_n3A_570 : vector<16xi32> to vector<1x1x16xi32>
        tpu.vector_store %arg7[%swap3A_572, %swap3A_573, %swap3A_574], %swap3A_577 {strides = array<i32>} : memref<2x2x128xi32, #tpu.memory_space<vmem>>, vector<1x1x16xi32>,
        %add3A_578 = arith.constant 0 : i32
        %add3A_579 = arith.addi %min3A_430, %add3A_578 : i32
        %add3A_580 = arith.constant 64 : i32
        %add3A_581 = arith.addi %add3A_579, %add3A_580 : i32
        %add3A_582 = vector.broadcast %add3A_581 : i32 to vector<16xi32>
        %add3A_583 = arith.addi %add3A_582, %iota3A : vector<16xi32>
        %get3A_584 = arith.constant 0 : i32
        %get3A_585 = arith.index_cast %select_n3A_376 : i32 to index
        %get3A_586 = arith.index_cast %get3A_584 : i32 to index
        %get3A_587 = arith.constant 64 : index
        %get3A_588 = tpu.vector_load %arg7[%get3A_585, %get3A_586, %get3A_587] {strides = array<i32>} : memref<2x2x128xi32, #tpu.memory_space<vmem>>, vector<1x1x16xi32>,
        %get3A_589 = vector.shape_cast %get3A_588 : vector<1x1x16xi32> to vector<16xi32>
        %ge3A_590 = vector.broadcast %max3A : i32 to vector<16xi32>
        %ge3A_591 = arith.cmpi sge, %add3A_583, %ge3A_590 : vector<16xi32>
        %lt3A_592 = vector.broadcast %add3A_283 : i32 to vector<16xi32>
        %lt3A_593 = arith.cmpi slt, %add3A_583, %lt3A_592 : vector<16xi32>
        %and3A_594 = arith.andi %ge3A_591, %lt3A_593 : vector<16xi1>
        %sub3A_595 = vector.broadcast %mul3A_8 : i32 to vector<16xi32>
        %sub3A_596 = arith.subi %get3A_589, %sub3A_595 : vector<16xi32>
        %broadcast_in_dim3A_597 = vector.broadcast %add3A_19 : i32 to vector<16xi32>
        %select_n3A_598 = arith.select %and3A_594, %sub3A_596, %broadcast_in_dim3A_597 : vector<16xi1>, vector<16xi32>
        %swap3A_599 = arith.constant 0 : i32
        %swap3A_600 = arith.index_cast %select_n3A_376 : i32 to index
        %swap3A_601 = arith.index_cast %swap3A_599 : i32 to index
        %swap3A_602 = arith.constant 64 : index
        %swap3A_603 = tpu.vector_load %arg7[%swap3A_600, %swap3A_601, %swap3A_602] {strides = array<i32>} : memref<2x2x128xi32, #tpu.memory_space<vmem>>, vector<1x1x16xi32>,
        %swap3A_604 = vector.shape_cast %swap3A_603 : vector<1x1x16xi32> to vector<16xi32>
        %swap3A_605 = vector.shape_cast %select_n3A_598 : vector<16xi32> to vector<1x1x16xi32>
        tpu.vector_store %arg7[%swap3A_600, %swap3A_601, %swap3A_602], %swap3A_605 {strides = array<i32>} : memref<2x2x128xi32, #tpu.memory_space<vmem>>, vector<1x1x16xi32>,
        %add3A_606 = arith.constant 0 : i32
        %add3A_607 = arith.addi %min3A_430, %add3A_606 : i32
        %add3A_608 = arith.constant 80 : i32
        %add3A_609 = arith.addi %add3A_607, %add3A_608 : i32
        %add3A_610 = vector.broadcast %add3A_609 : i32 to vector<16xi32>
        %add3A_611 = arith.addi %add3A_610, %iota3A : vector<16xi32>
        %get3A_612 = arith.constant 0 : i32
        %get3A_613 = arith.index_cast %select_n3A_376 : i32 to index
        %get3A_614 = arith.index_cast %get3A_612 : i32 to index
        %get3A_615 = arith.constant 80 : index
        %get3A_616 = tpu.vector_load %arg7[%get3A_613, %get3A_614, %get3A_615] {strides = array<i32>} : memref<2x2x128xi32, #tpu.memory_space<vmem>>, vector<1x1x16xi32>,
        %get3A_617 = vector.shape_cast %get3A_616 : vector<1x1x16xi32> to vector<16xi32>
        %ge3A_618 = vector.broadcast %max3A : i32 to vector<16xi32>
        %ge3A_619 = arith.cmpi sge, %add3A_611, %ge3A_618 : vector<16xi32>
        %lt3A_620 = vector.broadcast %add3A_283 : i32 to vector<16xi32>
        %lt3A_621 = arith.cmpi slt, %add3A_611, %lt3A_620 : vector<16xi32>
        %and3A_622 = arith.andi %ge3A_619, %lt3A_621 : vector<16xi1>
        %sub3A_623 = vector.broadcast %mul3A_8 : i32 to vector<16xi32>
        %sub3A_624 = arith.subi %get3A_617, %sub3A_623 : vector<16xi32>
        %broadcast_in_dim3A_625 = vector.broadcast %add3A_19 : i32 to vector<16xi32>
        %select_n3A_626 = arith.select %and3A_622, %sub3A_624, %broadcast_in_dim3A_625 : vector<16xi1>, vector<16xi32>
        %swap3A_627 = arith.constant 0 : i32
        %swap3A_628 = arith.index_cast %select_n3A_376 : i32 to index
        %swap3A_629 = arith.index_cast %swap3A_627 : i32 to index
        %swap3A_630 = arith.constant 80 : index
        %swap3A_631 = tpu.vector_load %arg7[%swap3A_628, %swap3A_629, %swap3A_630] {strides = array<i32>} : memref<2x2x128xi32, #tpu.memory_space<vmem>>, vector<1x1x16xi32>,
        %swap3A_632 = vector.shape_cast %swap3A_631 : vector<1x1x16xi32> to vector<16xi32>
        %swap3A_633 = vector.shape_cast %select_n3A_626 : vector<16xi32> to vector<1x1x16xi32>
        tpu.vector_store %arg7[%swap3A_628, %swap3A_629, %swap3A_630], %swap3A_633 {strides = array<i32>} : memref<2x2x128xi32, #tpu.memory_space<vmem>>, vector<1x1x16xi32>,
        %add3A_634 = arith.constant 0 : i32
        %add3A_635 = arith.addi %min3A_430, %add3A_634 : i32
        %add3A_636 = arith.constant 96 : i32
        %add3A_637 = arith.addi %add3A_635, %add3A_636 : i32
        %add3A_638 = vector.broadcast %add3A_637 : i32 to vector<16xi32>
        %add3A_639 = arith.addi %add3A_638, %iota3A : vector<16xi32>
        %get3A_640 = arith.constant 0 : i32
        %get3A_641 = arith.index_cast %select_n3A_376 : i32 to index
        %get3A_642 = arith.index_cast %get3A_640 : i32 to index
        %get3A_643 = arith.constant 96 : index
        %get3A_644 = tpu.vector_load %arg7[%get3A_641, %get3A_642, %get3A_643] {strides = array<i32>} : memref<2x2x128xi32, #tpu.memory_space<vmem>>, vector<1x1x16xi32>,
        %get3A_645 = vector.shape_cast %get3A_644 : vector<1x1x16xi32> to vector<16xi32>
        %ge3A_646 = vector.broadcast %max3A : i32 to vector<16xi32>
        %ge3A_647 = arith.cmpi sge, %add3A_639, %ge3A_646 : vector<16xi32>
        %lt3A_648 = vector.broadcast %add3A_283 : i32 to vector<16xi32>
        %lt3A_649 = arith.cmpi slt, %add3A_639, %lt3A_648 : vector<16xi32>
        %and3A_650 = arith.andi %ge3A_647, %lt3A_649 : vector<16xi1>
        %sub3A_651 = vector.broadcast %mul3A_8 : i32 to vector<16xi32>
        %sub3A_652 = arith.subi %get3A_645, %sub3A_651 : vector<16xi32>
        %broadcast_in_dim3A_653 = vector.broadcast %add3A_19 : i32 to vector<16xi32>
        %select_n3A_654 = arith.select %and3A_650, %sub3A_652, %broadcast_in_dim3A_653 : vector<16xi1>, vector<16xi32>
        %swap3A_655 = arith.constant 0 : i32
        %swap3A_656 = arith.index_cast %select_n3A_376 : i32 to index
        %swap3A_657 = arith.index_cast %swap3A_655 : i32 to index
        %swap3A_658 = arith.constant 96 : index
        %swap3A_659 = tpu.vector_load %arg7[%swap3A_656, %swap3A_657, %swap3A_658] {strides = array<i32>} : memref<2x2x128xi32, #tpu.memory_space<vmem>>, vector<1x1x16xi32>,
        %swap3A_660 = vector.shape_cast %swap3A_659 : vector<1x1x16xi32> to vector<16xi32>
        %swap3A_661 = vector.shape_cast %select_n3A_654 : vector<16xi32> to vector<1x1x16xi32>
        tpu.vector_store %arg7[%swap3A_656, %swap3A_657, %swap3A_658], %swap3A_661 {strides = array<i32>} : memref<2x2x128xi32, #tpu.memory_space<vmem>>, vector<1x1x16xi32>,
        %add3A_662 = arith.constant 0 : i32
        %add3A_663 = arith.addi %min3A_430, %add3A_662 : i32
        %add3A_664 = arith.constant 112 : i32
        %add3A_665 = arith.addi %add3A_663, %add3A_664 : i32
        %add3A_666 = vector.broadcast %add3A_665 : i32 to vector<16xi32>
        %add3A_667 = arith.addi %add3A_666, %iota3A : vector<16xi32>
        %get3A_668 = arith.constant 0 : i32
        %get3A_669 = arith.index_cast %select_n3A_376 : i32 to index
        %get3A_670 = arith.index_cast %get3A_668 : i32 to index
        %get3A_671 = arith.constant 112 : index
        %get3A_672 = tpu.vector_load %arg7[%get3A_669, %get3A_670, %get3A_671] {strides = array<i32>} : memref<2x2x128xi32, #tpu.memory_space<vmem>>, vector<1x1x16xi32>,
        %get3A_673 = vector.shape_cast %get3A_672 : vector<1x1x16xi32> to vector<16xi32>
        %ge3A_674 = vector.broadcast %max3A : i32 to vector<16xi32>
        %ge3A_675 = arith.cmpi sge, %add3A_667, %ge3A_674 : vector<16xi32>
        %lt3A_676 = vector.broadcast %add3A_283 : i32 to vector<16xi32>
        %lt3A_677 = arith.cmpi slt, %add3A_667, %lt3A_676 : vector<16xi32>
        %and3A_678 = arith.andi %ge3A_675, %lt3A_677 : vector<16xi1>
        %sub3A_679 = vector.broadcast %mul3A_8 : i32 to vector<16xi32>
        %sub3A_680 = arith.subi %get3A_673, %sub3A_679 : vector<16xi32>
        %broadcast_in_dim3A_681 = vector.broadcast %add3A_19 : i32 to vector<16xi32>
        %select_n3A_682 = arith.select %and3A_678, %sub3A_680, %broadcast_in_dim3A_681 : vector<16xi1>, vector<16xi32>
        %swap3A_683 = arith.constant 0 : i32
        %swap3A_684 = arith.index_cast %select_n3A_376 : i32 to index
        %swap3A_685 = arith.index_cast %swap3A_683 : i32 to index
        %swap3A_686 = arith.constant 112 : index
        %swap3A_687 = tpu.vector_load %arg7[%swap3A_684, %swap3A_685, %swap3A_686] {strides = array<i32>} : memref<2x2x128xi32, #tpu.memory_space<vmem>>, vector<1x1x16xi32>,
        %swap3A_688 = vector.shape_cast %swap3A_687 : vector<1x1x16xi32> to vector<16xi32>
        %swap3A_689 = vector.shape_cast %select_n3A_682 : vector<16xi32> to vector<1x1x16xi32>
        tpu.vector_store %arg7[%swap3A_684, %swap3A_685, %swap3A_686], %swap3A_689 {strides = array<i32>} : memref<2x2x128xi32, #tpu.memory_space<vmem>>, vector<1x1x16xi32>,
        %add3A_690 = arith.constant 128 : i32
        %add3A_691 = arith.addi %min3A_430, %add3A_690 : i32
        %add3A_692 = arith.constant 0 : i32
        %add3A_693 = arith.addi %add3A_691, %add3A_692 : i32
        %add3A_694 = vector.broadcast %add3A_693 : i32 to vector<16xi32>
        %add3A_695 = arith.addi %add3A_694, %iota3A : vector<16xi32>
        %get3A_696 = arith.constant 1 : i32
        %get3A_697 = arith.index_cast %select_n3A_376 : i32 to index
        %get3A_698 = arith.index_cast %get3A_696 : i32 to index
        %get3A_699 = arith.constant 0 : index
        %get3A_700 = tpu.vector_load %arg7[%get3A_697, %get3A_698, %get3A_699] {strides = array<i32>} : memref<2x2x128xi32, #tpu.memory_space<vmem>>, vector<1x1x16xi32>,
        %get3A_701 = vector.shape_cast %get3A_700 : vector<1x1x16xi32> to vector<16xi32>
        %ge3A_702 = vector.broadcast %max3A : i32 to vector<16xi32>
        %ge3A_703 = arith.cmpi sge, %add3A_695, %ge3A_702 : vector<16xi32>
        %lt3A_704 = vector.broadcast %add3A_283 : i32 to vector<16xi32>
        %lt3A_705 = arith.cmpi slt, %add3A_695, %lt3A_704 : vector<16xi32>
        %and3A_706 = arith.andi %ge3A_703, %lt3A_705 : vector<16xi1>
        %sub3A_707 = vector.broadcast %mul3A_8 : i32 to vector<16xi32>
        %sub3A_708 = arith.subi %get3A_701, %sub3A_707 : vector<16xi32>
        %broadcast_in_dim3A_709 = vector.broadcast %add3A_19 : i32 to vector<16xi32>
        %select_n3A_710 = arith.select %and3A_706, %sub3A_708, %broadcast_in_dim3A_709 : vector<16xi1>, vector<16xi32>
        %swap3A_711 = arith.constant 1 : i32
        %swap3A_712 = arith.index_cast %select_n3A_376 : i32 to index
        %swap3A_713 = arith.index_cast %swap3A_711 : i32 to index
        %swap3A_714 = arith.constant 0 : index
        %swap3A_715 = tpu.vector_load %arg7[%swap3A_712, %swap3A_713, %swap3A_714] {strides = array<i32>} : memref<2x2x128xi32, #tpu.memory_space<vmem>>, vector<1x1x16xi32>,
        %swap3A_716 = vector.shape_cast %swap3A_715 : vector<1x1x16xi32> to vector<16xi32>
        %swap3A_717 = vector.shape_cast %select_n3A_710 : vector<16xi32> to vector<1x1x16xi32>
        tpu.vector_store %arg7[%swap3A_712, %swap3A_713, %swap3A_714], %swap3A_717 {strides = array<i32>} : memref<2x2x128xi32, #tpu.memory_space<vmem>>, vector<1x1x16xi32>,
        %add3A_718 = arith.constant 128 : i32
        %add3A_719 = arith.addi %min3A_430, %add3A_718 : i32
        %add3A_720 = arith.constant 16 : i32
        %add3A_721 = arith.addi %add3A_719, %add3A_720 : i32
        %add3A_722 = vector.broadcast %add3A_721 : i32 to vector<16xi32>
        %add3A_723 = arith.addi %add3A_722, %iota3A : vector<16xi32>
        %get3A_724 = arith.constant 1 : i32
        %get3A_725 = arith.index_cast %select_n3A_376 : i32 to index
        %get3A_726 = arith.index_cast %get3A_724 : i32 to index
        %get3A_727 = arith.constant 16 : index
        %get3A_728 = tpu.vector_load %arg7[%get3A_725, %get3A_726, %get3A_727] {strides = array<i32>} : memref<2x2x128xi32, #tpu.memory_space<vmem>>, vector<1x1x16xi32>,
        %get3A_729 = vector.shape_cast %get3A_728 : vector<1x1x16xi32> to vector<16xi32>
        %ge3A_730 = vector.broadcast %max3A : i32 to vector<16xi32>
        %ge3A_731 = arith.cmpi sge, %add3A_723, %ge3A_730 : vector<16xi32>
        %lt3A_732 = vector.broadcast %add3A_283 : i32 to vector<16xi32>
        %lt3A_733 = arith.cmpi slt, %add3A_723, %lt3A_732 : vector<16xi32>
        %and3A_734 = arith.andi %ge3A_731, %lt3A_733 : vector<16xi1>
        %sub3A_735 = vector.broadcast %mul3A_8 : i32 to vector<16xi32>
        %sub3A_736 = arith.subi %get3A_729, %sub3A_735 : vector<16xi32>
        %broadcast_in_dim3A_737 = vector.broadcast %add3A_19 : i32 to vector<16xi32>
        %select_n3A_738 = arith.select %and3A_734, %sub3A_736, %broadcast_in_dim3A_737 : vector<16xi1>, vector<16xi32>
        %swap3A_739 = arith.constant 1 : i32
        %swap3A_740 = arith.index_cast %select_n3A_376 : i32 to index
        %swap3A_741 = arith.index_cast %swap3A_739 : i32 to index
        %swap3A_742 = arith.constant 16 : index
        %swap3A_743 = tpu.vector_load %arg7[%swap3A_740, %swap3A_741, %swap3A_742] {strides = array<i32>} : memref<2x2x128xi32, #tpu.memory_space<vmem>>, vector<1x1x16xi32>,
        %swap3A_744 = vector.shape_cast %swap3A_743 : vector<1x1x16xi32> to vector<16xi32>
        %swap3A_745 = vector.shape_cast %select_n3A_738 : vector<16xi32> to vector<1x1x16xi32>
        tpu.vector_store %arg7[%swap3A_740, %swap3A_741, %swap3A_742], %swap3A_745 {strides = array<i32>} : memref<2x2x128xi32, #tpu.memory_space<vmem>>, vector<1x1x16xi32>,
        %add3A_746 = arith.constant 128 : i32
        %add3A_747 = arith.addi %min3A_430, %add3A_746 : i32
        %add3A_748 = arith.constant 32 : i32
        %add3A_749 = arith.addi %add3A_747, %add3A_748 : i32
        %add3A_750 = vector.broadcast %add3A_749 : i32 to vector<16xi32>
        %add3A_751 = arith.addi %add3A_750, %iota3A : vector<16xi32>
        %get3A_752 = arith.constant 1 : i32
        %get3A_753 = arith.index_cast %select_n3A_376 : i32 to index
        %get3A_754 = arith.index_cast %get3A_752 : i32 to index
        %get3A_755 = arith.constant 32 : index
        %get3A_756 = tpu.vector_load %arg7[%get3A_753, %get3A_754, %get3A_755] {strides = array<i32>} : memref<2x2x128xi32, #tpu.memory_space<vmem>>, vector<1x1x16xi32>,
        %get3A_757 = vector.shape_cast %get3A_756 : vector<1x1x16xi32> to vector<16xi32>
        %ge3A_758 = vector.broadcast %max3A : i32 to vector<16xi32>
        %ge3A_759 = arith.cmpi sge, %add3A_751, %ge3A_758 : vector<16xi32>
        %lt3A_760 = vector.broadcast %add3A_283 : i32 to vector<16xi32>
        %lt3A_761 = arith.cmpi slt, %add3A_751, %lt3A_760 : vector<16xi32>
        %and3A_762 = arith.andi %ge3A_759, %lt3A_761 : vector<16xi1>
        %sub3A_763 = vector.broadcast %mul3A_8 : i32 to vector<16xi32>
        %sub3A_764 = arith.subi %get3A_757, %sub3A_763 : vector<16xi32>
        %broadcast_in_dim3A_765 = vector.broadcast %add3A_19 : i32 to vector<16xi32>
        %select_n3A_766 = arith.select %and3A_762, %sub3A_764, %broadcast_in_dim3A_765 : vector<16xi1>, vector<16xi32>
        %swap3A_767 = arith.constant 1 : i32
        %swap3A_768 = arith.index_cast %select_n3A_376 : i32 to index
        %swap3A_769 = arith.index_cast %swap3A_767 : i32 to index
        %swap3A_770 = arith.constant 32 : index
        %swap3A_771 = tpu.vector_load %arg7[%swap3A_768, %swap3A_769, %swap3A_770] {strides = array<i32>} : memref<2x2x128xi32, #tpu.memory_space<vmem>>, vector<1x1x16xi32>,
        %swap3A_772 = vector.shape_cast %swap3A_771 : vector<1x1x16xi32> to vector<16xi32>
        %swap3A_773 = vector.shape_cast %select_n3A_766 : vector<16xi32> to vector<1x1x16xi32>
        tpu.vector_store %arg7[%swap3A_768, %swap3A_769, %swap3A_770], %swap3A_773 {strides = array<i32>} : memref<2x2x128xi32, #tpu.memory_space<vmem>>, vector<1x1x16xi32>,
        %add3A_774 = arith.constant 128 : i32
        %add3A_775 = arith.addi %min3A_430, %add3A_774 : i32
        %add3A_776 = arith.constant 48 : i32
        %add3A_777 = arith.addi %add3A_775, %add3A_776 : i32
        %add3A_778 = vector.broadcast %add3A_777 : i32 to vector<16xi32>
        %add3A_779 = arith.addi %add3A_778, %iota3A : vector<16xi32>
        %get3A_780 = arith.constant 1 : i32
        %get3A_781 = arith.index_cast %select_n3A_376 : i32 to index
        %get3A_782 = arith.index_cast %get3A_780 : i32 to index
        %get3A_783 = arith.constant 48 : index
        %get3A_784 = tpu.vector_load %arg7[%get3A_781, %get3A_782, %get3A_783] {strides = array<i32>} : memref<2x2x128xi32, #tpu.memory_space<vmem>>, vector<1x1x16xi32>,
        %get3A_785 = vector.shape_cast %get3A_784 : vector<1x1x16xi32> to vector<16xi32>
        %ge3A_786 = vector.broadcast %max3A : i32 to vector<16xi32>
        %ge3A_787 = arith.cmpi sge, %add3A_779, %ge3A_786 : vector<16xi32>
        %lt3A_788 = vector.broadcast %add3A_283 : i32 to vector<16xi32>
        %lt3A_789 = arith.cmpi slt, %add3A_779, %lt3A_788 : vector<16xi32>
        %and3A_790 = arith.andi %ge3A_787, %lt3A_789 : vector<16xi1>
        %sub3A_791 = vector.broadcast %mul3A_8 : i32 to vector<16xi32>
        %sub3A_792 = arith.subi %get3A_785, %sub3A_791 : vector<16xi32>
        %broadcast_in_dim3A_793 = vector.broadcast %add3A_19 : i32 to vector<16xi32>
        %select_n3A_794 = arith.select %and3A_790, %sub3A_792, %broadcast_in_dim3A_793 : vector<16xi1>, vector<16xi32>
        %swap3A_795 = arith.constant 1 : i32
        %swap3A_796 = arith.index_cast %select_n3A_376 : i32 to index
        %swap3A_797 = arith.index_cast %swap3A_795 : i32 to index
        %swap3A_798 = arith.constant 48 : index
        %swap3A_799 = tpu.vector_load %arg7[%swap3A_796, %swap3A_797, %swap3A_798] {strides = array<i32>} : memref<2x2x128xi32, #tpu.memory_space<vmem>>, vector<1x1x16xi32>,
        %swap3A_800 = vector.shape_cast %swap3A_799 : vector<1x1x16xi32> to vector<16xi32>
        %swap3A_801 = vector.shape_cast %select_n3A_794 : vector<16xi32> to vector<1x1x16xi32>
        tpu.vector_store %arg7[%swap3A_796, %swap3A_797, %swap3A_798], %swap3A_801 {strides = array<i32>} : memref<2x2x128xi32, #tpu.memory_space<vmem>>, vector<1x1x16xi32>,
        %add3A_802 = arith.constant 128 : i32
        %add3A_803 = arith.addi %min3A_430, %add3A_802 : i32
        %add3A_804 = arith.constant 64 : i32
        %add3A_805 = arith.addi %add3A_803, %add3A_804 : i32
        %add3A_806 = vector.broadcast %add3A_805 : i32 to vector<16xi32>
        %add3A_807 = arith.addi %add3A_806, %iota3A : vector<16xi32>
        %get3A_808 = arith.constant 1 : i32
        %get3A_809 = arith.index_cast %select_n3A_376 : i32 to index
        %get3A_810 = arith.index_cast %get3A_808 : i32 to index
        %get3A_811 = arith.constant 64 : index
        %get3A_812 = tpu.vector_load %arg7[%get3A_809, %get3A_810, %get3A_811] {strides = array<i32>} : memref<2x2x128xi32, #tpu.memory_space<vmem>>, vector<1x1x16xi32>,
        %get3A_813 = vector.shape_cast %get3A_812 : vector<1x1x16xi32> to vector<16xi32>
        %ge3A_814 = vector.broadcast %max3A : i32 to vector<16xi32>
        %ge3A_815 = arith.cmpi sge, %add3A_807, %ge3A_814 : vector<16xi32>
        %lt3A_816 = vector.broadcast %add3A_283 : i32 to vector<16xi32>
        %lt3A_817 = arith.cmpi slt, %add3A_807, %lt3A_816 : vector<16xi32>
        %and3A_818 = arith.andi %ge3A_815, %lt3A_817 : vector<16xi1>
        %sub3A_819 = vector.broadcast %mul3A_8 : i32 to vector<16xi32>
        %sub3A_820 = arith.subi %get3A_813, %sub3A_819 : vector<16xi32>
        %broadcast_in_dim3A_821 = vector.broadcast %add3A_19 : i32 to vector<16xi32>
        %select_n3A_822 = arith.select %and3A_818, %sub3A_820, %broadcast_in_dim3A_821 : vector<16xi1>, vector<16xi32>
        %swap3A_823 = arith.constant 1 : i32
        %swap3A_824 = arith.index_cast %select_n3A_376 : i32 to index
        %swap3A_825 = arith.index_cast %swap3A_823 : i32 to index
        %swap3A_826 = arith.constant 64 : index
        %swap3A_827 = tpu.vector_load %arg7[%swap3A_824, %swap3A_825, %swap3A_826] {strides = array<i32>} : memref<2x2x128xi32, #tpu.memory_space<vmem>>, vector<1x1x16xi32>,
        %swap3A_828 = vector.shape_cast %swap3A_827 : vector<1x1x16xi32> to vector<16xi32>
        %swap3A_829 = vector.shape_cast %select_n3A_822 : vector<16xi32> to vector<1x1x16xi32>
        tpu.vector_store %arg7[%swap3A_824, %swap3A_825, %swap3A_826], %swap3A_829 {strides = array<i32>} : memref<2x2x128xi32, #tpu.memory_space<vmem>>, vector<1x1x16xi32>,
        %add3A_830 = arith.constant 128 : i32
        %add3A_831 = arith.addi %min3A_430, %add3A_830 : i32
        %add3A_832 = arith.constant 80 : i32
        %add3A_833 = arith.addi %add3A_831, %add3A_832 : i32
        %add3A_834 = vector.broadcast %add3A_833 : i32 to vector<16xi32>
        %add3A_835 = arith.addi %add3A_834, %iota3A : vector<16xi32>
        %get3A_836 = arith.constant 1 : i32
        %get3A_837 = arith.index_cast %select_n3A_376 : i32 to index
        %get3A_838 = arith.index_cast %get3A_836 : i32 to index
        %get3A_839 = arith.constant 80 : index
        %get3A_840 = tpu.vector_load %arg7[%get3A_837, %get3A_838, %get3A_839] {strides = array<i32>} : memref<2x2x128xi32, #tpu.memory_space<vmem>>, vector<1x1x16xi32>,
        %get3A_841 = vector.shape_cast %get3A_840 : vector<1x1x16xi32> to vector<16xi32>
        %ge3A_842 = vector.broadcast %max3A : i32 to vector<16xi32>
        %ge3A_843 = arith.cmpi sge, %add3A_835, %ge3A_842 : vector<16xi32>
        %lt3A_844 = vector.broadcast %add3A_283 : i32 to vector<16xi32>
        %lt3A_845 = arith.cmpi slt, %add3A_835, %lt3A_844 : vector<16xi32>
        %and3A_846 = arith.andi %ge3A_843, %lt3A_845 : vector<16xi1>
        %sub3A_847 = vector.broadcast %mul3A_8 : i32 to vector<16xi32>
        %sub3A_848 = arith.subi %get3A_841, %sub3A_847 : vector<16xi32>
        %broadcast_in_dim3A_849 = vector.broadcast %add3A_19 : i32 to vector<16xi32>
        %select_n3A_850 = arith.select %and3A_846, %sub3A_848, %broadcast_in_dim3A_849 : vector<16xi1>, vector<16xi32>
        %swap3A_851 = arith.constant 1 : i32
        %swap3A_852 = arith.index_cast %select_n3A_376 : i32 to index
        %swap3A_853 = arith.index_cast %swap3A_851 : i32 to index
        %swap3A_854 = arith.constant 80 : index
        %swap3A_855 = tpu.vector_load %arg7[%swap3A_852, %swap3A_853, %swap3A_854] {strides = array<i32>} : memref<2x2x128xi32, #tpu.memory_space<vmem>>, vector<1x1x16xi32>,
        %swap3A_856 = vector.shape_cast %swap3A_855 : vector<1x1x16xi32> to vector<16xi32>
        %swap3A_857 = vector.shape_cast %select_n3A_850 : vector<16xi32> to vector<1x1x16xi32>
        tpu.vector_store %arg7[%swap3A_852, %swap3A_853, %swap3A_854], %swap3A_857 {strides = array<i32>} : memref<2x2x128xi32, #tpu.memory_space<vmem>>, vector<1x1x16xi32>,
        %add3A_858 = arith.constant 128 : i32
        %add3A_859 = arith.addi %min3A_430, %add3A_858 : i32
        %add3A_860 = arith.constant 96 : i32
        %add3A_861 = arith.addi %add3A_859, %add3A_860 : i32
        %add3A_862 = vector.broadcast %add3A_861 : i32 to vector<16xi32>
        %add3A_863 = arith.addi %add3A_862, %iota3A : vector<16xi32>
        %get3A_864 = arith.constant 1 : i32
        %get3A_865 = arith.index_cast %select_n3A_376 : i32 to index
        %get3A_866 = arith.index_cast %get3A_864 : i32 to index
        %get3A_867 = arith.constant 96 : index
        %get3A_868 = tpu.vector_load %arg7[%get3A_865, %get3A_866, %get3A_867] {strides = array<i32>} : memref<2x2x128xi32, #tpu.memory_space<vmem>>, vector<1x1x16xi32>,
        %get3A_869 = vector.shape_cast %get3A_868 : vector<1x1x16xi32> to vector<16xi32>
        %ge3A_870 = vector.broadcast %max3A : i32 to vector<16xi32>
        %ge3A_871 = arith.cmpi sge, %add3A_863, %ge3A_870 : vector<16xi32>
        %lt3A_872 = vector.broadcast %add3A_283 : i32 to vector<16xi32>
        %lt3A_873 = arith.cmpi slt, %add3A_863, %lt3A_872 : vector<16xi32>
        %and3A_874 = arith.andi %ge3A_871, %lt3A_873 : vector<16xi1>
        %sub3A_875 = vector.broadcast %mul3A_8 : i32 to vector<16xi32>
        %sub3A_876 = arith.subi %get3A_869, %sub3A_875 : vector<16xi32>
        %broadcast_in_dim3A_877 = vector.broadcast %add3A_19 : i32 to vector<16xi32>
        %select_n3A_878 = arith.select %and3A_874, %sub3A_876, %broadcast_in_dim3A_877 : vector<16xi1>, vector<16xi32>
        %swap3A_879 = arith.constant 1 : i32
        %swap3A_880 = arith.index_cast %select_n3A_376 : i32 to index
        %swap3A_881 = arith.index_cast %swap3A_879 : i32 to index
        %swap3A_882 = arith.constant 96 : index
        %swap3A_883 = tpu.vector_load %arg7[%swap3A_880, %swap3A_881, %swap3A_882] {strides = array<i32>} : memref<2x2x128xi32, #tpu.memory_space<vmem>>, vector<1x1x16xi32>,
        %swap3A_884 = vector.shape_cast %swap3A_883 : vector<1x1x16xi32> to vector<16xi32>
        %swap3A_885 = vector.shape_cast %select_n3A_878 : vector<16xi32> to vector<1x1x16xi32>
        tpu.vector_store %arg7[%swap3A_880, %swap3A_881, %swap3A_882], %swap3A_885 {strides = array<i32>} : memref<2x2x128xi32, #tpu.memory_space<vmem>>, vector<1x1x16xi32>,
        %add3A_886 = arith.constant 128 : i32
        %add3A_887 = arith.addi %min3A_430, %add3A_886 : i32
        %add3A_888 = arith.constant 112 : i32
        %add3A_889 = arith.addi %add3A_887, %add3A_888 : i32
        %add3A_890 = vector.broadcast %add3A_889 : i32 to vector<16xi32>
        %add3A_891 = arith.addi %add3A_890, %iota3A : vector<16xi32>
        %get3A_892 = arith.constant 1 : i32
        %get3A_893 = arith.index_cast %select_n3A_376 : i32 to index
        %get3A_894 = arith.index_cast %get3A_892 : i32 to index
        %get3A_895 = arith.constant 112 : index
        %get3A_896 = tpu.vector_load %arg7[%get3A_893, %get3A_894, %get3A_895] {strides = array<i32>} : memref<2x2x128xi32, #tpu.memory_space<vmem>>, vector<1x1x16xi32>,
        %get3A_897 = vector.shape_cast %get3A_896 : vector<1x1x16xi32> to vector<16xi32>
        %ge3A_898 = vector.broadcast %max3A : i32 to vector<16xi32>
        %ge3A_899 = arith.cmpi sge, %add3A_891, %ge3A_898 : vector<16xi32>
        %lt3A_900 = vector.broadcast %add3A_283 : i32 to vector<16xi32>
        %lt3A_901 = arith.cmpi slt, %add3A_891, %lt3A_900 : vector<16xi32>
        %and3A_902 = arith.andi %ge3A_899, %lt3A_901 : vector<16xi1>
        %sub3A_903 = vector.broadcast %mul3A_8 : i32 to vector<16xi32>
        %sub3A_904 = arith.subi %get3A_897, %sub3A_903 : vector<16xi32>
        %broadcast_in_dim3A_905 = vector.broadcast %add3A_19 : i32 to vector<16xi32>
        %select_n3A_906 = arith.select %and3A_902, %sub3A_904, %broadcast_in_dim3A_905 : vector<16xi1>, vector<16xi32>
        %swap3A_907 = arith.constant 1 : i32
        %swap3A_908 = arith.index_cast %select_n3A_376 : i32 to index
        %swap3A_909 = arith.index_cast %swap3A_907 : i32 to index
        %swap3A_910 = arith.constant 112 : index
        %swap3A_911 = tpu.vector_load %arg7[%swap3A_908, %swap3A_909, %swap3A_910] {strides = array<i32>} : memref<2x2x128xi32, #tpu.memory_space<vmem>>, vector<1x1x16xi32>,
        %swap3A_912 = vector.shape_cast %swap3A_911 : vector<1x1x16xi32> to vector<16xi32>
        %swap3A_913 = vector.shape_cast %select_n3A_906 : vector<16xi32> to vector<1x1x16xi32>
        tpu.vector_store %arg7[%swap3A_908, %swap3A_909, %swap3A_910], %swap3A_913 {strides = array<i32>} : memref<2x2x128xi32, #tpu.memory_space<vmem>>, vector<1x1x16xi32>,
      } else {
      }
      %dma_start3A_445 = arith.constant 0 : i32
      %dma_start3A_446 = arith.constant 0 : i32
      %dma_start3A_447 = arith.constant 0 : i32
      %dma_start3A_448 = tpu.memref_slice %arg6[%select_n3A_376, %dma_start3A_446, %dma_start3A_447] : memref<2x256x128xf32, #tpu.memory_space<vmem>> -> memref<1x128x128xf32, #tpu.memory_space<vmem>>
      %dma_start3A_449 = tpu.memref_squeeze %dma_start3A_448 : memref<1x128x128xf32, #tpu.memory_space<vmem>> -> memref<128x128xf32, #tpu.memory_space<vmem>>
      %dma_start3A_450 = arith.constant 0 : i32
      %dma_start3A_451 = tpu.memref_slice %arg7[%select_n3A_376, %dma_start3A_445, %dma_start3A_450] : memref<2x2x128xi32, #tpu.memory_space<vmem>> -> memref<1x1x128xi32, #tpu.memory_space<vmem>>
      %dma_start3A_452 = tpu.memref_squeeze %dma_start3A_451 : memref<1x1x128xi32, #tpu.memory_space<vmem>> -> memref<128xi32, #tpu.memory_space<vmem>>
      %dma_start3A_453 = arith.constant 0 : i32
      %dma_start3A_454 = arith.constant 0 : i32
      %dma_start3A_455 = tpu.memref_slice %arg10[%dma_start3A_453, %dma_start3A_454] : memref<5128x128xf32, #tpu.memory_space<vmem_shared>> -> memref<5128x128xf32, #tpu.memory_space<vmem_shared>>
      tpu.enqueue_indirect_dma source(%dma_start3A_449 : memref<128x128xf32, #tpu.memory_space<vmem>>) target(%dma_start3A_455 : memref<5128x128xf32, #tpu.memory_space<vmem_shared>>) offsets(%dma_start3A_452 : memref<128xi32, #tpu.memory_space<vmem>>) semaphore(%arg12 : memref<!tpu.dma_semaphore, #tpu.memory_space<semaphore_mem>>) {add = true}
      %dma_start3A_456 = arith.constant 1 : i32
      %dma_start3A_457 = arith.constant 128 : i32
      %dma_start3A_458 = arith.constant 0 : i32
      %dma_start3A_459 = tpu.memref_slice %arg6[%select_n3A_376, %dma_start3A_457, %dma_start3A_458] : memref<2x256x128xf32, #tpu.memory_space<vmem>> -> memref<1x128x128xf32, #tpu.memory_space<vmem>>
      %dma_start3A_460 = tpu.memref_squeeze %dma_start3A_459 : memref<1x128x128xf32, #tpu.memory_space<vmem>> -> memref<128x128xf32, #tpu.memory_space<vmem>>
      %dma_start3A_461 = arith.constant 0 : i32
      %dma_start3A_462 = tpu.memref_slice %arg7[%select_n3A_376, %dma_start3A_456, %dma_start3A_461] : memref<2x2x128xi32, #tpu.memory_space<vmem>> -> memref<1x1x128xi32, #tpu.memory_space<vmem>>
      %dma_start3A_463 = tpu.memref_squeeze %dma_start3A_462 : memref<1x1x128xi32, #tpu.memory_space<vmem>> -> memref<128xi32, #tpu.memory_space<vmem>>
      %dma_start3A_464 = arith.constant 0 : i32
      %dma_start3A_465 = arith.constant 0 : i32
      %dma_start3A_466 = tpu.memref_slice %arg10[%dma_start3A_464, %dma_start3A_465] : memref<5128x128xf32, #tpu.memory_space<vmem_shared>> -> memref<5128x128xf32, #tpu.memory_space<vmem_shared>>
      tpu.enqueue_indirect_dma source(%dma_start3A_460 : memref<128x128xf32, #tpu.memory_space<vmem>>) target(%dma_start3A_466 : memref<5128x128xf32, #tpu.memory_space<vmem_shared>>) offsets(%dma_start3A_463 : memref<128xi32, #tpu.memory_space<vmem>>) semaphore(%arg12 : memref<!tpu.dma_semaphore, #tpu.memory_space<semaphore_mem>>) {add = true}
      %while3A_467 = arith.constant 0 : i32
      scf.yield %while3A_467 : i32
    }
    %gt3A_354 = arith.constant 0 : i32
    %gt3A_355 = arith.cmpi sgt, %select_n3A_340, %gt3A_354 : i32
    %convert_element_type3A_356 = arith.extui %gt3A_355 : i1 to i32
    %cond3A_357 = arith.constant 0 : i32
    %cond3A_358 = arith.cmpi ne, %convert_element_type3A_356, %cond3A_357 : i32
    scf.if %cond3A_358 {
      %sub3A_359 = arith.constant 1 : i32
      %sub3A_360 = arith.subi %select_n3A_340, %sub3A_359 : i32
      %jit3A_361 = arith.constant 2 : i32
      %eq3A_362 = arith.constant 0 : i32
      %eq3A_363 = arith.cmpi eq, %jit3A_361, %eq3A_362 : i32
      %jit3A_364 = arith.constant 1 : i32
      %select_n3A_365 = arith.select %eq3A_363, %jit3A_364, %jit3A_361 : i32
      %rem3A_366 = arith.remsi %sub3A_360, %select_n3A_365 : i32
      %ne3A_367 = arith.constant 0 : i32
      %ne3A_368 = arith.cmpi ne, %rem3A_366, %ne3A_367 : i32
      %lt3A_369 = arith.constant 0 : i32
      %lt3A_370 = arith.cmpi slt, %rem3A_366, %lt3A_369 : i32
      %lt3A_371 = arith.constant 0 : i32
      %lt3A_372 = arith.cmpi slt, %select_n3A_365, %lt3A_371 : i32
      %ne3A_373 = arith.xori %lt3A_370, %lt3A_372 : i1
      %and3A_374 = arith.andi %ne3A_373, %ne3A_368 : i1
      %add3A_375 = arith.addi %rem3A_366, %select_n3A_365 : i32
      %select_n3A_376 = arith.select %and3A_374, %add3A_375, %rem3A_366 : i32
      %dma_wait3A_377 = arith.constant 0 : i32
      %dma_wait3A_378 = arith.constant 0 : i32
      %dma_wait3A_379 = arith.constant 0 : i32
      %dma_wait3A_380 = tpu.memref_slice %arg6[%select_n3A_376, %dma_wait3A_378, %dma_wait3A_379] : memref<2x256x128xf32, #tpu.memory_space<vmem>> -> memref<1x128x128xf32, #tpu.memory_space<vmem>>
      %dma_wait3A_381 = tpu.memref_squeeze %dma_wait3A_380 : memref<1x128x128xf32, #tpu.memory_space<vmem>> -> memref<128x128xf32, #tpu.memory_space<vmem>>
      %dma_wait3A_382 = arith.constant 0 : i32
      %dma_wait3A_383 = tpu.memref_slice %arg7[%select_n3A_376, %dma_wait3A_377, %dma_wait3A_382] : memref<2x2x128xi32, #tpu.memory_space<vmem>> -> memref<1x1x128xi32, #tpu.memory_space<vmem>>
      %dma_wait3A_384 = tpu.memref_squeeze %dma_wait3A_383 : memref<1x1x128xi32, #tpu.memory_space<vmem>> -> memref<128xi32, #tpu.memory_space<vmem>>
      %dma_wait3A_385 = arith.constant 0 : i32
      %dma_wait3A_386 = arith.constant 0 : i32
      %dma_wait3A_387 = tpu.memref_slice %arg10[%dma_wait3A_385, %dma_wait3A_386] : memref<5128x128xf32, #tpu.memory_space<vmem_shared>> -> memref<5128x128xf32, #tpu.memory_space<vmem_shared>>
      tpu.wait_indirect_dma semaphore(%arg12 : memref<!tpu.dma_semaphore, #tpu.memory_space<semaphore_mem>>) src(%dma_wait3A_381 : memref<128x128xf32, #tpu.memory_space<vmem>>) dst(%dma_wait3A_387 : memref<5128x128xf32, #tpu.memory_space<vmem_shared>>)
      %dma_wait3A_388 = arith.constant 1 : i32
      %dma_wait3A_389 = arith.constant 128 : i32
      %dma_wait3A_390 = arith.constant 0 : i32
      %dma_wait3A_391 = tpu.memref_slice %arg6[%select_n3A_376, %dma_wait3A_389, %dma_wait3A_390] : memref<2x256x128xf32, #tpu.memory_space<vmem>> -> memref<1x128x128xf32, #tpu.memory_space<vmem>>
      %dma_wait3A_392 = tpu.memref_squeeze %dma_wait3A_391 : memref<1x128x128xf32, #tpu.memory_space<vmem>> -> memref<128x128xf32, #tpu.memory_space<vmem>>
      %dma_wait3A_393 = arith.constant 0 : i32
      %dma_wait3A_394 = tpu.memref_slice %arg7[%select_n3A_376, %dma_wait3A_388, %dma_wait3A_393] : memref<2x2x128xi32, #tpu.memory_space<vmem>> -> memref<1x1x128xi32, #tpu.memory_space<vmem>>
      %dma_wait3A_395 = tpu.memref_squeeze %dma_wait3A_394 : memref<1x1x128xi32, #tpu.memory_space<vmem>> -> memref<128xi32, #tpu.memory_space<vmem>>
      %dma_wait3A_396 = arith.constant 0 : i32
      %dma_wait3A_397 = arith.constant 0 : i32
      %dma_wait3A_398 = tpu.memref_slice %arg10[%dma_wait3A_396, %dma_wait3A_397] : memref<5128x128xf32, #tpu.memory_space<vmem_shared>> -> memref<5128x128xf32, #tpu.memory_space<vmem_shared>>
      tpu.wait_indirect_dma semaphore(%arg12 : memref<!tpu.dma_semaphore, #tpu.memory_space<semaphore_mem>>) src(%dma_wait3A_392 : memref<128x128xf32, #tpu.memory_space<vmem>>) dst(%dma_wait3A_398 : memref<5128x128xf32, #tpu.memory_space<vmem_shared>>)
    } else {
    }
    "tpu.region"() ({
      %run_scoped3A = tpu.sem_alloc : memref<!tpu.dma_semaphore, #tpu.memory_space<semaphore_mem>>
      %dma_start3A_359 = arith.constant 0 : i32
      %dma_start3A_360 = tpu.memref_slice %arg5[%mul3A_2, %dma_start3A_359] <%min3A_6> : memref<10000x128xf32, #tpu.memory_space<hbm>> -> memref<?x128xf32, #tpu.memory_space<hbm>>
      %dma_start3A_361 = arith.constant 0 : i32
      %dma_start3A_362 = tpu.memref_slice %arg10[%mul3A_4, %dma_start3A_361] <%min3A_6> : memref<5128x128xf32, #tpu.memory_space<vmem_shared>> -> memref<?x128xf32, #tpu.memory_space<vmem_shared>>
      tpu.enqueue_dma source(%dma_start3A_362 : memref<?x128xf32, #tpu.memory_space<vmem_shared>>) target(%dma_start3A_360 : memref<?x128xf32, #tpu.memory_space<hbm>>) target_semaphore(%run_scoped3A : memref<!tpu.dma_semaphore, #tpu.memory_space<semaphore_mem>>)
      %dma_wait3A_363 = arith.constant 0 : i32
      %dma_wait3A_364 = tpu.memref_slice %arg5[%mul3A_2, %dma_wait3A_363] <%min3A_6> : memref<10000x128xf32, #tpu.memory_space<hbm>> -> memref<?x128xf32, #tpu.memory_space<hbm>>
      %dma_wait3A_365 = arith.constant 0 : i32
      %dma_wait3A_366 = tpu.memref_slice %arg10[%mul3A_4, %dma_wait3A_365] <%min3A_6> : memref<5128x128xf32, #tpu.memory_space<vmem_shared>> -> memref<?x128xf32, #tpu.memory_space<vmem_shared>>
      tpu.wait_dma2 semaphore(%run_scoped3A : memref<!tpu.dma_semaphore, #tpu.memory_space<semaphore_mem>>) src(%dma_wait3A_366 : memref<?x128xf32, #tpu.memory_space<vmem_shared>>) dst(%dma_wait3A_364 : memref<?x128xf32, #tpu.memory_space<hbm>>)
      tpu.yield
    }) : () -> ()
    return
  }
}

</mosaic_0001>

<sc_bundles>
// kernel: kernel.3.cloned.1.call-start
scs
__scs_entry_jumppad:
0x0: {  	(pc) =	sbr.rel $0x88, $3  }
0x1: {  	(tag) =	ssettag $0x0;
	lr =	simm.s32 $0x1  }
0x2: {  	[smem:$0x3F9E] =	sst lr;
	_ =	strace $0xD0000000  }
0x3: {  	_ = 	snop  }
0x4: {  	_ = 	snop  }
0x5: {  	_ = 	snop  }
0x6: {  	_ = 	snop  }
0x7: {  	_ = 	snop  }
__scs_overlays_trampoline_lowered:
0x8: {  	[smem:$0x3FAD] =	sst s0  }
0x9: {  	[smem:$0x3FAE] =	sst s1  }
0xa: {  	[smem:$0x3FAF] =	sst s2  }
0xb: {  	[smem:$0x3FB0] =	sst s3  }
0xc: {  	[smem:$0x3FB1] =	sst s4  }
0xd: {  	[smem:$0x3FB2] =	sst s5  }
0xe: {  	[smem:$0x3FB3] =	sst s6  }
0xf: {  	[smem:$0x3FB4] =	sst s7  }
0x10: {  	[smem:$0x3FB5] =	sst s8  }
0x11: {  	[smem:$0x3FB6] =	sst s9;
	s0 =	simm.s32 @!p0 $0x0  }
0x12: {  	s1 =	sld [smem:$0x3F9C];
	s0 =	simm.s32 @p0 $0x1  }
0x13: {  	[smem:$0x3FB7] =	sst s0;
	s0 =	simm.s32 @!p1 $0x0  }
0x14: {  	s2 =	sld [smem:$0x3F9B];
	s0 =	simm.s32 @p1 $0x1  }
0x15: {  	[smem:$0x3FB8] =	sst s0;
	s0 =	simm.s32 @!p2 $0x0  }
0x16: {  	s3 =	sld [smem:$0x3FDB];
	s0 =	simm.s32 @p2 $0x1  }
0x17: {  	s4 =	simm.s32 $0x1BF5;
	[smem:$0x3FBA] =	sst s0  }
0x18: {  	s0 =	sld [smem:$0x3F9D];
	_ =	swait.ge [sflag:s4], $0x0  }
0x19: {  	s7 =	sld [smem:$0x3F9E]  }
0x1a: {  	s8 =	sadd.s32 $0xFFFFE003, lr  }
0x1b: {  	s9 =	sadd.s32 $0xFFFFFEF7, lr;
	s5 =	simm.s32 $0xFFFFFFFF;
	p2 =	slt.u32 s8, $0xFFFFF086  }
0x1c: {  	p1 =	slt.u32 s9, $0xF7A;
	s5 =	simm.s32 @!p2 $0x0  }
0x1d: {  	s5 =	simm.s32 @p1 $0x1;
	p0 =	seq.s32 s7, s2  }
0x1e: {  	s7 =	smul.u32 @!p0 $0xF7A, s2;
	p2 =	seq.s32 @!p0 s5, $0x0  }
0x1f: {  	s9 =	smul.u32 $0xF7A, s1;
	s8 =	simm.s32 @!p0 $0x1BF5;
	p2 =	por !p2, p0  }
0x20: {  	[sflag:s8] =	ssyncset.s32 @!p0 $0xFFFFF086;
	s6 =	sadd.s32 @!p0 s3, s7;
	s7 =	simm.s32 @!p0 $0x108  }
0x21: {  	s3 =	sadd.s32 s3, s9;
	s6 =	sadd.s32 @!p0 $0x88, s6;
	s7 =	simm.s32 @p2 $0x1082  }
0x22: {  	[simem:s7], [sflag:s8] =	dma.local @!p0 [hbm:s6], $0xF7A  }
0x23: {  	s9 =	sor.u32 $0xD0000000, s2;
	s6 =	simm.s32 $0x108;
	_ =	swait.ge @!p0 [sflag:s8], $0x0  }
0x24: {  	s3 =	sadd.s32 $0x88, s3;
	s6 =	simm.s32 @!p1 $0x1082;
	[sflag:s4] =	ssyncset.s32 $0xFFFFF086  }
0x25: {  	[simem:s6], [sflag:s4] =	dma.local [hbm:s3], $0xF7A  }
0x26: {  	[smem:$0x3F9E] =	sst s1;
	(tag) =	ssettag s2;
	_ =	strace s9  }
0x27: {  	s1 =	sld [smem:$0x3FAE]  }
0x28: {  	s2 =	sld [smem:$0x3FAF]  }
0x29: {  	s4 =	sld [smem:$0x3FB1]  }
0x2a: {  	p0 =	seq.s32 s5, $0x0;
	s5 =	sld [smem:$0x3FB2]  }
0x2b: {  	s6 =	sld [smem:$0x3FB3]  }
0x2c: {  	s7 =	sld [smem:$0x3FB4]  }
0x2d: {  	s3 =	simm.s32 $0x108;
	s8 =	sld [smem:$0x3FB5]  }
0x2e: {  	s3 =	simm.s32 @!p0 $0x1082;
	s9 =	sld [smem:$0x3FB6]  }
0x2f: {  	lr =	sadd.s32 s0, s3;
	s0 =	sld [smem:$0x3FAD]  }
0x30: {  	s3 =	sld [smem:$0x3FB0]  }
0x31: {  	[smem:$0x3FB9] =	sst s10  }
0x32: {  	s10 =	sld [smem:$0x3FB7];
	_ =	sdelay $0x3  }
0x33: {  	p0 =	seq.s32 s10, $0x1;
	s10 =	sld [smem:$0x3FB9];
	_ =	sdelay $0x3  }
0x34: {  	[smem:$0x3FB9] =	sst s10  }
0x35: {  	s10 =	sld [smem:$0x3FB8];
	_ =	sdelay $0x3  }
0x36: {  	p1 =	seq.s32 s10, $0x1;
	s10 =	sld [smem:$0x3FB9];
	_ =	sdelay $0x3  }
0x37: {  	[smem:$0x3FB9] =	sst s10  }
0x38: {  	s10 =	sld [smem:$0x3FBA]  }
0x39: {  	_ = 	snop;
	(pc) =	sbr.ind lr, $3  }
0x3a: {  	_ = 	snop  }
0x3b: {  	_ = 	snop  }
0x3c: {  	p2 =	seq.s32 s10, $0x1;
	s10 =	sld [smem:$0x3FB9]  }
0x3d: {  	_ =	shalt  }
0x3e: {  	_ =	shalt  }
0x3f: {  	_ =	shalt  }
0x40: {  	_ =	shalt  }
0x41: {  	_ =	shalt  }
0x42: {  	_ =	shalt  }
0x43: {  	_ =	shalt  }
0x44: {  	_ =	shalt  }
0x45: {  	_ =	shalt  }
0x46: {  	_ =	shalt  }
0x47: {  	_ =	shalt  }
0x48: {  	_ =	shalt  }
0x49: {  	_ =	shalt  }
0x4a: {  	_ =	shalt  }
0x4b: {  	_ =	shalt  }
0x4c: {  	_ =	shalt  }
0x4d: {  	_ =	shalt  }
0x4e: {  	_ =	shalt  }
0x4f: {  	_ =	shalt  }
0x50: {  	_ =	shalt  }
0x51: {  	_ =	shalt  }
0x52: {  	_ =	shalt  }
0x53: {  	_ =	shalt  }
0x54: {  	_ =	shalt  }
0x55: {  	_ =	shalt  }
0x56: {  	_ =	shalt  }
0x57: {  	_ =	shalt  }
0x58: {  	_ =	shalt  }
0x59: {  	_ =	shalt  }
0x5a: {  	_ =	shalt  }
0x5b: {  	_ =	shalt  }
0x5c: {  	_ =	shalt  }
0x5d: {  	_ =	shalt  }
0x5e: {  	_ =	shalt  }
0x5f: {  	_ =	shalt  }
0x60: {  	_ =	shalt  }
0x61: {  	_ =	shalt  }
0x62: {  	_ =	shalt  }
0x63: {  	_ =	shalt  }
0x64: {  	_ =	shalt  }
0x65: {  	_ =	shalt  }
0x66: {  	_ =	shalt  }
0x67: {  	_ =	shalt  }
0x68: {  	_ =	shalt  }
0x69: {  	_ =	shalt  }
0x6a: {  	_ =	shalt  }
0x6b: {  	_ =	shalt  }
0x6c: {  	_ =	shalt  }
0x6d: {  	_ =	shalt  }
0x6e: {  	_ =	shalt  }
0x6f: {  	_ =	shalt  }
0x70: {  	_ =	shalt  }
0x71: {  	_ =	shalt  }
0x72: {  	_ =	shalt  }
0x73: {  	_ =	shalt  }
0x74: {  	_ =	shalt  }
0x75: {  	_ =	shalt  }
0x76: {  	_ =	shalt  }
0x77: {  	_ =	shalt  }
0x78: {  	_ =	shalt  }
0x79: {  	_ =	shalt  }
0x7a: {  	_ =	shalt  }
0x7b: {  	_ =	shalt  }
0x7c: {  	_ =	shalt  }
0x7d: {  	_ =	shalt  }
0x7e: {  	_ =	shalt  }
0x7f: {  	_ =	shalt  }
0x80: {  	_ =	shalt  }
0x81: {  	_ =	shalt  }
0x82: {  	_ =	shalt  }
0x83: {  	_ =	shalt  }
0x84: {  	_ =	shalt  }
0x85: {  	_ =	shalt  }
0x86: {  	_ =	shalt  }
0x87: {  	_ =	shalt  }
.Lfunc_end0:
.L_simem_size_0:
called_computation_lowered:
.L_overlay_start_0:
0x88: {  	s2 =	sld [smem:$0x3FD9]  }
0x89: {  	s3 =	sld [smem:$0x3FFE];
	_ =	sdelay $0x1  }
0x8a: {  	s1 =	srdreg.scid  }
0x8b: {  	s0 =	sand.u32 $0x1, s1  }
0x8c: {  	s18 =	sshll.u32 s0, $0xA;
	s2 =	sadd.s32 s3, s2  }
0x8d: {  	s2 =	sadd.s32 s2, s18  }
0x8e: {  	[smem:$0x3FC5] =	sst s2  }
0x8f: {  	_ = 	snop  }
0x90: {  	s2 =	sld [smem:$0x3FC9]  }
0x91: {  	s19 =	sld [smem:$0x3FC8]  }
0x92: {  	s4 =	sld [smem:$0x3FC7]  }
0x93: {  	s5 =	sld [smem:$0x3FD0];
	(tm) =	ssettm $0x1  }
0x94: {  	s6 =	sld [smem:$0x3FFB];
	_ =	sdelay $0x3  }
0x95: {  	_ =	strace s6  }
0x96: {  	s6 =	sld [smem:$0x3FFC];
	_ =	sdelay $0x3  }
0x97: {  	_ =	strace s6  }
0x98: {  	s6 =	sld [smem:$0x3FFD];
	_ =	sdelay $0x3  }
0x99: {  	_ =	strace s6  }
0x9a: {  	_ =	strace $0x8FFFFFFF  }
0x9b: {  	s20 =	sld [smem:$0x3FDB];
	_ =	sdelay $0x1  }
0x9c: {  	s7 =	simm.s32 $_scs_section_size  }
0x9d: {  	s8 =	simm.s32 $_size__tile_overlayer_lowered;
	s9 =	simm.s32 $_tile_overlayer_lowered  }
0x9e: {  	s23 =	simm.s32 $0x1BFF;
	s22 =	sshll.u32 s9, $0x1;
	s6 =	sadd.s32 s7, s20  }
0x9f: {  	s10 =	simm.s32 $0x0;
	s21 =	sshll.u32 s8, $0x1;
	s8 =	sadd.s32 s22, s6  }
0xa0: {  	[timem:s10], [sflag:s23] =	dma.local [hbm:s8], s21  }
0xa1: {  	_ =	swait.ge [sflag:s23], s21  }
0xa2: {  	s7 =	ssub.s32 $0x0, s21;
	[sflag:s23] =	ssyncset.done $0x0  }
0xa3: {  	[sflag:s23] =	ssyncadd.s32 s7;
	_ =	sdelay $0x1  }
0xa4: {  	s24 =	simm.s32 $0x1B8B  }
0xa5: {  	_ =	swait.ge [sflag:s24], $0x1  }
0xa6: {  	[sflag:s24] =	ssyncset.done $0x0  }
0xa7: {  	s25 =	simm.s32 $0x1B8E;
	[sflag:s24] =	ssyncadd.s32 $0xFFFFFFFF  }
0xa8: {  	s26 =	simm.s32 $execute0_lowered;
	[smem:$0x3FD2] =	sst s25  }
0xa9: {  	s7 =	sshll.u32 s26, $0x1;
	_ =	strace $0x80000046;
	[dreg:$0x1] =	wrdreg $0xFFFFFFFF  }
0xaa: {  	s28 =	simm.s32 $_size_execute0_lowered;
	s6 =	sadd.s32 s6, s7;
	[dreg:$0x0] =	wrdreg $0x0  }
0xab: {  	s7 =	sshll.u32 s28, $0x1;
	[dreg:$0x2] =	wrdreg s6  }
0xac: {  	[dreg:$0x3] =	wrdreg s7  }
0xad: {  	[dreg:$0x4] =	wrdreg $0xC0  }
0xae: {  	_ =	task [dreg:s10], $0x5FFFF  }
0xaf: {  	[dreg:$0x1] =	wrdreg $0xFFFFFFFF  }
0xb0: {  	[dreg:$0x0] =	wrdreg $0x60  }
0xb1: {  	[dreg:$0x2] =	wrdreg s2  }
0xb2: {  	[dreg:$0x3] =	wrdreg s19  }
0xb3: {  	[dreg:$0x4] =	wrdreg s4  }
0xb4: {  	[dreg:$0x5] =	wrdreg s5  }
0xb5: {  	[dreg:$0x6] =	wrdreg $0x103000  }
0xb6: {  	[dreg:$0x7] =	wrdreg $0x9  }
0xb7: {  	_ =	task.clear_ibuf [dreg:s10], $0x8FFFF;
	_ =	strace $0x90000046  }
0xb8: {  	s29 =	simm.s32 $0x9;
	_ =	strace $0x80000048  }
0xb9: {  	_ =	swait.ge [sflag:s29], $0x1  }
0xba: {  	[sflag:s29] =	ssyncadd.s32 $0xFFFFFFFF  }
0xbb: {  	_ =	strace $0x90000048  }
0xbc: {  	_ =	sfence  }
0xbd: {  	s30 =	sld [smem:$0x0];
	_ =	sdelay $0x2  }
0xbe: {  	s31 =	sshll.u32 s1, $0xD;
	s1 =	sshrl.u32 s1, $0x2  }
0xbf: {  	s3 =	sand.u32 $0x4000, s31;
	s1 =	sadd.s32 s1, s30  }
0xc0: {  	s0 =	sor.u32 s3, s0;
	s1 =	sshll.u32 s1, $0x11  }
0xc1: {  	s0 =	sor.u32 s1, s0  }
0xc2: {  	s0 =	sadd.s32 $0x8F2B, s0  }
0xc3: {  	[sflag:s0] =	ssyncadd.remote.s32 $0x1  }
0xc4: {  	_ =	sfence.sel $0xFFFF  }
0xc5: {  	[dreg:$0x0] =	wrdreg $0xFFFFFFFF;
	(pc) =	sbr.abs _section_cstart, $3  }
0xc6: {  	[dreg:$0x1] =	wrdreg $0xFFFFFFFF  }
0xc7: {  	_ =	task.clear_ibuf [dreg:s10], $0x2FFFF;
	_ =	strace $0x9FFFFFFF  }
0xc8: {  	(tm) =	ssettm $0x7FFFFFFF  }
0xc9: {  	_ =	shalt  }
tec
execute0_lowered:
.L_overlay_start_1:
0x0: {  	(tag) =	ssettag $0x1  }
0x1: {  	s0 =	rddreg [dreg:$0x0]  }
0x2: {  	s1 =	rddreg [dreg:$0x1]  }
0x3: {  	s2 =	srdreg.scid;
	s3 =	rddreg [dreg:$0x2]  }
0x4: {  	s7 =	rddreg [dreg:$0x3];
	s16 =	stileid.u32  }
0x5: {  	s4 =	rddreg [dreg:$0x4];
	s17 =	simm.s32 $0x10200;
	s18 =	simm.s32 $0x10280  }
0x6: {  	s19 =	simm.s32 $0x4;
	s23 =	simm.s32 $0x80;
	s2 =	sand.u32 $0x1, s2  }
0x7: {  	s12 =	smul.u32 $0x28000, s16;
	s26 =	sand.u32 $0x7, s16;
	s29 =	sshll.u32 s16, $0x6  }
0x8: {  	s5 =	sshll.u32 s2, $0x4;
	s9 =	ssub.s32 $0x2, s2;
	s21 =	smul.u32 $0x1400, s2  }
0x9: {  	s22 =	sor.u32 $0x1400, s26;
	p6 =	seq.s32 s2, $0x1;
	s26 =	simm.s32 $0x0  }
0xa: {  	s8 =	sor.u32 s16, s5;
	s5 =	simm.s32 $0x0;
	s10 =	sshrl.u32 s9, $0x1  }
0xb: {  	s28 =	sshrl.u32 s12, $0x2;
	s16 =	simm.s32 $0x1;
	s6 =	smul.u32 $0x140, s8  }
0xc: {  	[smem:$0x7FF] =	sst s5;
	s14 =	ssub.s32 s9, s10;
	s13 =	smul.u32 $0x1400, s8  }
0xd: {  	s15 =	sadd.s32 s28, s4;
	_ =	strace $0x80000047;
	[dreg:$0x7] =	wrdreg s29  }
.Ltmp0:
0xe: {  	s31 =	smax.u32 s14, $0x1;
	s15 =	sshrl.u32 s15, $0x3;
	(pc) =	sbr.rel .LBB2_1-.Ltmp0, $4  }
0xf: {  	s11 =	ssub.s32 $0x2710, s6;
	s3 =	sadd.s32 s3, s13;
	[dreg:$0xa] =	wrdreg s31  }
0x10: {  	s30 =	sadd.s32 s7, s13;
	s25 =	smin.u32 s11, $0x140;
	[dreg:$0x6] =	wrdreg s3  }
0x11: {  	s3 =	sor.u32 $0x1C03, s29;
	[dreg:$0x9] =	wrdreg s30;
	s8 =	sshll.u32 s25, $0x4  }
0x12: {  	v2 =	vlaneseq.u32;
	v1 =	vmov s22;
	v0 =	vmov s21;
	s11 =	sadd.s32 $0x140, s6;
	[dreg:$0x8] =	wrdreg s3;
	s12 =	ssub.s32 $0x0, s8  }
.LBB2_8:
0x13: {  	s2 =	simm.s32 $0x2  }
0x14: {  	_ =	swait.ge [sflag:s2], $0x4000  }
0x15: {  	[sflag:s2] =	ssyncset.done $0x0  }
0x16: {  	[sflag:s2] =	ssyncadd.s32 $0xFFFFC000  }
0x17: {  	_ =	swait.ge [sflag:s2], $0x4000  }
0x18: {  	[sflag:s2] =	ssyncset.done $0x0  }
0x19: {  	[sflag:s2] =	ssyncadd.s32 $0xFFFFC000  }
.LBB2_9:
0x1a: {  	s2 =	rddreg [dreg:$0x7]  }
0x1b: {  	s3 =	rddreg [dreg:$0x9];
	s30 =	simm.s32 $0x5;
	s2 =	sor.u32 $0x1C05, s2  }
0x1c: {  	[hbm:s3], [sflag:s2] =	dma.local [spmem:s15], s8  }
0x1d: {  	_ =	swait.ge [sflag:s30], s8  }
0x1e: {  	s26 =	sadd.s32 $0x1, s26;
	s31 =	rddreg [dreg:$0xa]  }
0x1f: {  	p0 =	sne.s32 s26, s31  }
.Ltmp1:
0x20: {  	_ = 	snop;
	(pc) =	sbr.rel @!p0 .LBB2_10-.Ltmp1, $3  }
0x21: {  	_ =	sdelay $0x1  }
0x22: {  	[sflag:s30] =	ssyncset.done $0x0  }
0x23: {  	[sflag:s30] =	ssyncadd.s32 s12  }
.LBB2_1:
0x24: {  	s2 =	rddreg [dreg:$0x6]  }
0x25: {  	s3 =	rddreg [dreg:$0x8];
	s31 =	simm.s32 $0x4E20  }
0x26: {  	[spmem:s15], [sflag:s3] =	dma.local [hbm:s2], s8  }
0x27: {  	s2 =	sand.u32 $0x1, s31  }
0x28: {  	p1 =	por $0x0, $0x0;
	p2 =	seq.s32 s2, $0x1  }
0x29: {  	p1 =	por !p1, !p2  }
0x2a: {  	s2 =	simm.s32 $0x1;
	p1 =	por !p1, !p1  }
0x2b: {  	s2 =	simm.s32 @!p1 $0x0  }
0x2c: {  	s22 =	ssub.s32 $0x2710, s2  }
0x2d: {  	s2 =	sshll.u32 s22, $0x1  }
0x2e: {  	s2 =	sand.u32 $0x1FFFFFFE, s2  }
0x2f: {  	s2 =	sadd.s32 s1, s2  }
0x30: {  	[tilespmem:s17], [sflag:$0x4] =	stream.linear.gather [hbm4b:s2+s5], $0x10, $0x38;
	[tilespmem:$0x1A340] =	vst v63  }
0x31: {  	_ = 	snop  }
0x32: {  	[tilespmem:s18], [sflag:$0x4] =	stream.linear.gather [hbm4b:s2+s5], $0x10, $0x38;
	[tilespmem:$0x1A340] =	vst v63  }
0x33: {  	_ =	swait.ge [sflag:s19], $0x10  }
0x34: {  	[sflag:s19] =	ssyncset.done $0x0  }
0x35: {  	[sflag:s19] =	ssyncadd.s32 $0xFFFFFFF0  }
0x36: {  	_ =	swait.ge [sflag:s19], $0x10  }
0x37: {  	[sflag:s19] =	ssyncset.done $0x0  }
0x38: {  	[sflag:s19] =	ssyncadd.s32 $0xFFFFFFF0  }
0x39: {  	v3 =	vld [tilespmem:$0x10200];
	_ =	sdelay $0x4  }
0x3a: {  	(v2sf) =	vpush v3, $0x0;
	_ =	sdelay $0x9  }
0x3b: {  	v3 =	vld [tilespmem:$0x10280];
	_ =	sdelay $0x4  }
0x3c: {  	s30 =	spop (v2sf);
	(v2sf) =	vpush v3, $0x0;
	_ =	sdelay $0xb  }
0x3d: {  	s21 =	simm.s32 $0x4E20;
	s7 =	simm.s32 $0xE;
	s28 =	simm.s32 $0x4E20  }
0x3e: {  	s3 =	simm.s32 $0x0;
	s29 =	smov.u32 s22;
	s2 =	simm.s32 $0x0  }
.LBB2_2:
0x3f: {  	s31 =	smov.u32 s28;
	s28 =	smov.u32 s21  }
0x40: {  	s21 =	spop (v2sf)  }
0x41: {  	p2 =	slt.s32 s30, s6;
	p3 =	slt.s32 s21, s11;
	s21 =	smov.u32 s22  }
0x42: {  	p1 =	sne.s32 s7, $0x1;
	s3 =	smov.u32 @p2 s22;
	s21 =	smov.u32 @p2 s28  }
0x43: {  	s2 =	smov.u32 @p3 s29;
	s28 =	smov.u32 s29;
	s22 =	sadd.s32 s3, s21  }
0x44: {  	s28 =	smov.u32 @p3 s31;
	s29 =	sshrl.u32 s22, $0x1F;
	s30 =	sand.u32 $0x1, s22  }
0x45: {  	s31 =	sadd.s32 s2, s28;
	p2 =	slt.s32 s22, $0x1;
	p3 =	seq.s32 s30, $0x1  }
0x46: {  	s30 =	sshrl.u32 s31, $0x1F;
	s10 =	sand.u32 $0x1, s31;
	s22 =	sadd.s32 s29, s22  }
0x47: {  	p2 =	por !p2, !p3;
	p3 =	slt.s32 s31, $0x1;
	p4 =	seq.s32 s10, $0x1  }
0x48: {  	s10 =	sshra.s32 s22, $0x1;
	s22 =	simm.s32 $0x1;
	p2 =	por !p2, !p2  }
0x49: {  	s29 =	simm.s32 $0x1;
	s22 =	simm.s32 @!p2 $0x0;
	p2 =	por !p3, !p4  }
0x4a: {  	s22 =	ssub.s32 s10, s22;
	s10 =	sadd.s32 s30, s31;
	p2 =	por !p2, !p2  }
0x4b: {  	s10 =	sshra.s32 s10, $0x1;
	s29 =	simm.s32 @!p2 $0x0;
	s30 =	sshll.u32 s22, $0x1  }
0x4c: {  	s7 =	sadd.s32 $0xFFFFFFFF, s7;
	s29 =	ssub.s32 s10, s29;
	s10 =	sand.u32 $0x1FFFFFFE, s30  }
0x4d: {  	s10 =	sadd.s32 s1, s10;
	s30 =	sshll.u32 s29, $0x1  }
0x4e: {  	[tilespmem:s17], [sflag:$0x4] =	stream.linear.gather [hbm4b:s10+s5], $0x10, $0x38;
	[tilespmem:$0x1A340] =	vst v63  }
0x4f: {  	s10 =	sand.u32 $0x1FFFFFFE, s30  }
0x50: {  	s10 =	sadd.s32 s1, s10  }
0x51: {  	[tilespmem:s18], [sflag:$0x4] =	stream.linear.gather [hbm4b:s10+s5], $0x10, $0x38;
	[tilespmem:$0x1A340] =	vst v63  }
0x52: {  	_ =	swait.ge [sflag:s19], $0x10  }
0x53: {  	[sflag:s19] =	ssyncset.done $0x0  }
0x54: {  	[sflag:s19] =	ssyncadd.s32 $0xFFFFFFF0  }
0x55: {  	_ =	swait.ge [sflag:s19], $0x10  }
0x56: {  	[sflag:s19] =	ssyncset.done $0x0  }
0x57: {  	[sflag:s19] =	ssyncadd.s32 $0xFFFFFFF0  }
0x58: {  	v3 =	vld [tilespmem:$0x10200]  }
0x59: {  	v4 =	vld [tilespmem:$0x10280];
	_ =	sdelay $0x3  }
0x5a: {  	(v2sf) =	vpush v3, $0x0  }
0x5b: {  	(v2sf) =	vpush v4, $0x0;
	_ =	sdelay $0x9  }
.Ltmp2:
0x5c: {  	(pc) =	sbr.rel @p1 .LBB2_2-.Ltmp2, $2  }
0x5d: {  	_ =	sdelay $0x2  }
0x5e: {  	s30 =	spop (v2sf)  }
0x5f: {  	p1 =	slt.s32 s30, s6;
	s7 =	spop (v2sf)  }
0x60: {  	s3 =	smov.u32 @p1 s22;
	p1 =	slt.s32 s7, s11  }
0x61: {  	s3 =	sshll.u32 s3, $0x4;
	s2 =	smov.u32 @p1 s29  }
0x62: {  	s24 =	sshrl.u32 s3, $0x3;
	s2 =	sshll.u32 s2, $0x4  }
0x63: {  	s7 =	sadd.s32 s1, s24;
	s25 =	sshrl.u32 s2, $0x3  }
0x64: {  	[tilespmem:s17], [sflag:$0x4] =	stream.linear.gather [hbm4b:s7+s5], $0x10, $0x38;
	[tilespmem:$0x1A340] =	vst v63  }
0x65: {  	s7 =	sadd.s32 s1, s25  }
0x66: {  	[tilespmem:s18], [sflag:$0x4] =	stream.linear.gather [hbm4b:s7+s5], $0x10, $0x38;
	[tilespmem:$0x1A340] =	vst v63  }
0x67: {  	_ =	swait.ge [sflag:s19], $0x10  }
0x68: {  	[sflag:s19] =	ssyncset.done $0x0  }
0x69: {  	[sflag:s19] =	ssyncadd.s32 $0xFFFFFFF0  }
0x6a: {  	_ =	swait.ge [sflag:s19], $0x10  }
0x6b: {  	[sflag:s19] =	ssyncset.done $0x0  }
0x6c: {  	[sflag:s19] =	ssyncadd.s32 $0xFFFFFFF0  }
0x6d: {  	v4 =	vld [tilespmem:$0x10200]  }
0x6e: {  	v3 =	vld [tilespmem:$0x10280];
	_ =	sdelay $0x3  }
0x6f: {  	(v2sf) =	vpush v4, $0x0  }
0x70: {  	(v2sf) =	vpush v3, $0x0  }
0x71: {  	(v2sf) =	vpush v4, $0x1  }
0x72: {  	(v2sf) =	vpush v3, $0x1  }
0x73: {  	(v2sf) =	vpush v4, $0x2  }
0x74: {  	(v2sf) =	vpush v3, $0x2  }
0x75: {  	(v2sf) =	vpush v4, $0x3  }
0x76: {  	(v2sf) =	vpush v3, $0x3;
	_ =	sdelay $0x1  }
0x77: {  	(v2sf) =	vpush v4, $0x4  }
0x78: {  	(v2sf) =	vpush v3, $0x4  }
0x79: {  	(v2sf) =	vpush v4, $0x5  }
0x7a: {  	(v2sf) =	vpush v3, $0x5  }
0x7b: {  	(v2sf) =	vpush v4, $0x6  }
0x7c: {  	(v2sf) =	vpush v3, $0x6  }
0x7d: {  	(v2sf) =	vpush v4, $0x7;
	s7 =	spop (v2sf)  }
0x7e: {  	(v2sf) =	vpush v3, $0x7;
	s10 =	spop (v2sf);
	p2 =	slt.s32 s7, s6;
	s7 =	simm.s32 $0x1  }
0x7f: {  	(v2sf) =	vpush v4, $0x8;
	s21 =	spop (v2sf);
	s7 =	simm.s32 @!p2 $0x0  }
0x80: {  	s22 =	spop (v2sf);
	p2 =	slt.s32 s21, s6;
	s21 =	simm.s32 $0x1  }
0x81: {  	p1 =	slt.s32 s10, s11;
	s28 =	spop (v2sf);
	s21 =	simm.s32 @!p2 $0x0  }
0x82: {  	s29 =	spop (v2sf);
	p2 =	slt.s32 s28, s6;
	s28 =	simm.s32 $0x1  }
0x83: {  	(v2sf) =	vpush v3, $0x8;
	s7 =	sadd.s32 s21, s7;
	s30 =	spop (v2sf);
	s28 =	simm.s32 @!p2 $0x0  }
0x84: {  	p2 =	slt.s32 s22, s11;
	p0 =	slt.s32 s29, s11;
	s31 =	spop (v2sf)  }
0x85: {  	s7 =	sadd.s32 s28, s7;
	p4 =	slt.s32 s30, s6;
	s29 =	simm.s32 @!p0 $0x0  }
0x86: {  	(v2sf) =	vpush v4, $0x9;
	s28 =	simm.s32 $0x1;
	s13 =	spop (v2sf);
	s29 =	simm.s32 @p0 $0x1  }
0x87: {  	(v2sf) =	vpush v3, $0x9;
	s28 =	simm.s32 @!p4 $0x0;
	p3 =	slt.s32 s31, s11;
	s14 =	spop (v2sf)  }
0x88: {  	[smem:$0x7FB] =	sst s29;
	s7 =	sadd.s32 s28, s7;
	s9 =	spop (v2sf)  }
0x89: {  	(v2sf) =	vpush v4, $0xA;
	p4 =	slt.s32 s13, s6;
	s13 =	simm.s32 $0x1;
	s20 =	spop (v2sf)  }
0x8a: {  	(v2sf) =	vpush v3, $0xA;
	s13 =	simm.s32 @!p4 $0x0;
	p5 =	slt.s32 s14, s11;
	s25 =	spop (v2sf)  }
0x8b: {  	(v2sf) =	vpush v4, $0xB;
	p4 =	slt.s32 s9, s6;
	s9 =	simm.s32 $0x1;
	s24 =	spop (v2sf)  }
0x8c: {  	(v2sf) =	vpush v3, $0xB;
	s7 =	sadd.s32 s13, s7;
	s9 =	simm.s32 @!p4 $0x0;
	s10 =	spop (v2sf)  }
0x8d: {  	p4 =	slt.s32 s20, s11;
	s20 =	simm.s32 $0x1;
	s21 =	spop (v2sf);
	(v2sf) =	vpush v4, $0xC  }
0x8e: {  	s9 =	sadd.s32 s9, s7;
	s7 =	simm.s32 $0x1;
	s22 =	spop (v2sf);
	(v2sf) =	vpush v3, $0xC  }
0x8f: {  	p0 =	slt.s32 s25, s6;
	s25 =	simm.s32 $0x1;
	s20 =	simm.s32 @!p2 $0x0  }
0x90: {  	s7 =	simm.s32 @!p1 $0x0;
	s25 =	simm.s32 @!p0 $0x0;
	p1 =	slt.s32 s24, s11  }
0x91: {  	s2 =	sor.u32 s20, s2;
	s9 =	sadd.s32 s25, s9;
	p0 =	slt.s32 s10, s6  }
0x92: {  	s10 =	simm.s32 $0x1;
	s2 =	sadd.s32 s7, s2;
	s30 =	spop (v2sf);
	(v2sf) =	vpush v4, $0xD  }
0x93: {  	s7 =	simm.s32 $0x1;
	s10 =	simm.s32 @!p0 $0x0;
	p2 =	slt.s32 s21, s11  }
0x94: {  	s21 =	simm.s32 $0x1;
	p0 =	slt.s32 s22, s6;
	s22 =	simm.s32 $0x1  }
0x95: {  	s9 =	sadd.s32 s10, s9;
	s10 =	simm.s32 $0x1;
	s29 =	spop (v2sf)  }
0x96: {  	s7 =	simm.s32 @!p2 $0x0;
	s22 =	simm.s32 @!p0 $0x0;
	s28 =	spop (v2sf)  }
0x97: {  	s9 =	sadd.s32 s22, s9;
	p0 =	slt.s32 s29, s6;
	s29 =	sld [smem:$0x7FB]  }
0x98: {  	(v2sf) =	vpush v3, $0xD;
	s31 =	spop (v2sf);
	s21 =	simm.s32 @!p0 $0x0;
	p0 =	slt.s32 s30, s11  }
0x99: {  	(v2sf) =	vpush v4, $0xE;
	s13 =	spop (v2sf);
	s25 =	simm.s32 @!p0 $0x0;
	s9 =	sadd.s32 s21, s9  }
0x9a: {  	s21 =	simm.s32 $0x1;
	s14 =	spop (v2sf);
	s25 =	simm.s32 @p0 $0x1  }
0x9b: {  	p0 =	seq.s32 s29, $0x1;
	s21 =	simm.s32 @!p3 $0x0;
	s24 =	spop (v2sf)  }
0x9c: {  	s29 =	simm.s32 $0x1;
	p3 =	slt.s32 s28, s11;
	s22 =	spop (v2sf);
	(v2sf) =	vpush v3, $0xE  }
0x9d: {  	[smem:$0x7FC] =	sst s25;
	s28 =	simm.s32 @!p3 $0x0;
	s25 =	spop (v2sf);
	(v2sf) =	vpush v4, $0xF  }
0x9e: {  	s10 =	simm.s32 @!p0 $0x0;
	p0 =	slt.s32 s31, s6;
	s28 =	simm.s32 @p3 $0x1  }
0x9f: {  	s29 =	simm.s32 @!p0 $0x0;
	p0 =	slt.s32 s14, s6;
	s14 =	simm.s32 $0x1  }
0xa0: {  	s2 =	sadd.s32 s10, s2;
	s10 =	simm.s32 $0x1;
	[smem:$0x7FD] =	sst s28  }
0xa1: {  	s9 =	sadd.s32 s29, s9;
	s29 =	simm.s32 $0x1;
	s28 =	spop (v2sf);
	(v2sf) =	vpush v3, $0xF  }
0xa2: {  	s14 =	simm.s32 @!p0 $0x0;
	p0 =	slt.s32 s13, s11;
	s2 =	sadd.s32 s21, s2  }
0xa3: {  	s29 =	simm.s32 @!p5 $0x0;
	s9 =	sadd.s32 s14, s9;
	s14 =	simm.s32 $0x1  }
0xa4: {  	s13 =	simm.s32 $0x1;
	s14 =	simm.s32 @!p4 $0x0;
	s2 =	sadd.s32 s29, s2  }
0xa5: {  	s2 =	sadd.s32 s14, s2;
	p5 =	slt.s32 s22, s6;
	s22 =	simm.s32 $0x1  }
0xa6: {  	s22 =	simm.s32 @!p5 $0x0;
	p5 =	slt.s32 s24, s11;
	s24 =	simm.s32 $0x1  }
0xa7: {  	s31 =	spop (v2sf);
	s24 =	simm.s32 @!p1 $0x0;
	s9 =	sadd.s32 s22, s9  }
0xa8: {  	p1 =	slt.s32 s28, s6;
	s22 =	simm.s32 $0x1;
	s28 =	spop (v2sf)  }
0xa9: {  	s22 =	simm.s32 @!p1 $0x0;
	p1 =	slt.s32 s25, s11;
	s25 =	sld [smem:$0x7FC]  }
0xaa: {  	s2 =	sadd.s32 s24, s2;
	p4 =	slt.s32 s28, s6;
	s28 =	simm.s32 $0x1  }
0xab: {  	s9 =	sadd.s32 s22, s9;
	s2 =	sadd.s32 s7, s2;
	s20 =	spop (v2sf)  }
0xac: {  	s7 =	simm.s32 $0x1;
	s28 =	simm.s32 @!p4 $0x0;
	s22 =	spop (v2sf)  }
0xad: {  	p4 =	slt.s32 s31, s11;
	s31 =	sld [smem:$0x7FD];
	p2 =	slt.s32 s22, s6  }
0xae: {  	s7 =	simm.s32 @!p0 $0x0;
	s9 =	sadd.s32 s28, s9;
	s10 =	simm.s32 @!p2 $0x0  }
0xaf: {  	p3 =	seq.s32 s25, $0x1;
	s9 =	sadd.s32 s10, s9;
	s10 =	simm.s32 $0x1  }
0xb0: {  	p2 =	slt.s32 s20, s11;
	s20 =	spop (v2sf);
	s10 =	simm.s32 @!p3 $0x0  }
0xb1: {  	p3 =	seq.s32 s31, $0x1;
	s28 =	sadd.s32 s3, s9;
	s14 =	sand.u32 $0x7, s9  }
0xb2: {  	s9 =	simm.s32 $0x1;
	s13 =	simm.s32 @!p3 $0x0;
	s2 =	sadd.s32 s10, s2  }
0xb3: {  	s10 =	simm.s32 $0x1;
	p3 =	slt.s32 s28, $0x1;
	s21 =	sshra.s32 s28, $0x1F  }
0xb4: {  	s10 =	simm.s32 @!p5 $0x0;
	s2 =	sadd.s32 s13, s2;
	s13 =	simm.s32 $0x1  }
0xb5: {  	s22 =	sshrl.u32 s21, $0x1D;
	s13 =	simm.s32 @!p1 $0x0;
	s2 =	sadd.s32 s7, s2  }
0xb6: {  	s7 =	simm.s32 $0x1;
	s2 =	sadd.s32 s10, s2;
	s10 =	simm.s32 $0x1  }
0xb7: {  	s3 =	sadd.s32 s22, s28;
	s10 =	simm.s32 @!p2 $0x0;
	p2 =	sne.s32 s14, $0x0  }
0xb8: {  	s7 =	simm.s32 @!p4 $0x0;
	s2 =	sadd.s32 s13, s2;
	p0 =	por !p3, !p2  }
0xb9: {  	s2 =	sadd.s32 s7, s2;
	s7 =	simm.s32 $0x1;
	p0 =	por !p0, !p0  }
0xba: {  	p1 =	slt.s32 s20, s11;
	s3 =	sshrl.u32 s3, $0x3;
	s7 =	simm.s32 @!p0 $0x0  }
0xbb: {  	s9 =	simm.s32 @!p1 $0x0;
	s2 =	sadd.s32 s10, s2;
	s3 =	ssub.s32 s3, s7  }
0xbc: {  	s29 =	sadd.s32 s9, s2;
	s2 =	sshll.u32 s3, $0x3  }
0xbd: {  	s3 =	ssub.s32 s29, s2  }
0xbe: {  	s3 =	sadd.s32 $0xFF, s3  }
0xbf: {  	s24 =	sand.u32 $0xFF, s3  }
0xc0: {  	s25 =	sshra.s32 s3, $0x1F;
	p5 =	slt.s32 s3, $0x1;
	p4 =	sne.s32 s24, $0x0  }
0xc1: {  	s7 =	sshrl.u32 s25, $0x18;
	p0 =	por !p5, !p4  }
0xc2: {  	s3 =	sadd.s32 s7, s3;
	s7 =	simm.s32 $0x1;
	p0 =	por !p0, !p0  }
0xc3: {  	s3 =	sshra.s32 s3, $0x8;
	s7 =	simm.s32 @!p0 $0x0  }
0xc4: {  	s30 =	ssub.s32 s3, s7  }
0xc5: {  	p0 =	slt.s32 s30, $0x1  }
.Ltmp3:
0xc6: {  	_ = 	snop;
	(pc) =	sbr.rel @p0 .LBB2_9-.Ltmp3, $4  }
0xc7: {  	s31 =	simm.s32 $0x3  }
0xc8: {  	_ =	swait.ge [sflag:s31], s8  }
0xc9: {  	[sflag:s31] =	ssyncset.done $0x0  }
0xca: {  	[sflag:s31] =	ssyncadd.s32 s12  }
0xcb: {  	p0 =	slt.s32 s2, $0x4E100;
	s3 =	smov.u32 s2  }
0xcc: {  	s3 =	simm.s32 @!p0 $0x4E100  }
0xcd: {  	s31 =	simm.s32 $0x0;
	s9 =	simm.s32 $0x10000;
	s7 =	sshll.u32 s3, $0x4  }
0xce: {  	s24 =	sshrl.u32 s3, $0x3;
	s3 =	sadd.s32 $0x80, s3;
	s7 =	sadd.s32 s0, s7  }
0xcf: {  	[tilespmem:s31], [sflag:$0x1] =	stream.linear.gather [hbm4b:s7+s31], $0x8000, $0x38;
	[tilespmem:$0x1A340] =	vst v63  }
.Ltmp4:
0xd0: {  	s3 =	sshrl.u32 s3, $0x3;
	s7 =	sadd.s32 s1, s24;
	(pc) =	sbr.rel .LBB2_5-.Ltmp4, $4  }
0xd1: {  	[tilespmem:s9], [sflag:$0x1] =	stream.linear.gather [hbm4b:s7+s31], $0x80, $0x38;
	[tilespmem:$0x1A340] =	vst v63  }
0xd2: {  	s25 =	simm.s32 $0x10080;
	s3 =	sadd.s32 s1, s3  }
0xd3: {  	[tilespmem:s25], [sflag:$0x1] =	stream.linear.gather [hbm4b:s3+s31], $0x80, $0x38;
	[tilespmem:$0x1A340] =	vst v63  }
0xd4: {  	v3 =	vmov s29;
	s3 =	sadd.s32 $0x100, s2  }
.LBB2_7:
0xd5: {  	p0 =	sne.s32 s30, s31  }
.Ltmp5:
0xd6: {  	_ = 	snop;
	(pc) =	sbr.rel @!p0 .LBB2_8-.Ltmp5, $4  }
0xd7: {  	s7 =	sor.u32 $0x10000, s22;
	s2 =	sshll.u32 s2, $0xF  }
0xd8: {  	[spmem:s4] =	stream.indirect.scatter.add.f32 [tilespmem:s2], [sflag:$0x2], $0x80, s7, s23, $0xb8;
	[tilespmem:$0x1A340] =	vst v63  }
0xd9: {  	s25 =	sor.u32 $0x10080, s22;
	s3 =	sadd.s32 $0x100, s3;
	s2 =	sor.u32 $0x4000, s2  }
0xda: {  	[spmem:s4] =	stream.indirect.scatter.add.f32 [tilespmem:s2], [sflag:$0x2], $0x80, s25, s23, $0xb8;
	[tilespmem:$0x1A340] =	vst v63  }
.LBB2_5:
0xdb: {  	_ =	swait.ge [sflag:s16], $0x8000  }
0xdc: {  	[sflag:s16] =	ssyncset.done $0x0  }
0xdd: {  	[sflag:s16] =	ssyncadd.s32 $0xFFFF8000  }
0xde: {  	_ =	swait.ge [sflag:s16], $0x80  }
0xdf: {  	[sflag:s16] =	ssyncset.done $0x0  }
0xe0: {  	[sflag:s16] =	ssyncadd.s32 $0xFFFFFF80  }
0xe1: {  	_ =	swait.ge [sflag:s16], $0x80  }
0xe2: {  	p2 =	seq.s32 s31, $0x0;
	[sflag:s16] =	ssyncset.done $0x0  }
0xe3: {  	s7 =	simm.s32 @!p2 $0x2;
	[sflag:s16] =	ssyncadd.s32 $0xFFFFFF80  }
0xe4: {  	s2 =	sand.u32 $0x1, s31;
	s31 =	sadd.s32 $0x1, s31;
	_ =	swait.ge @!p2 [sflag:s7], $0x4000  }
0xe5: {  	p1 =	sge.s32 s31, s30;
	[sflag:s7] =	ssyncset.done @!p2 $0x0  }
0xe6: {  	p0 =	slt.s32 @!p1 s3, $0x4E100;
	[sflag:s7] =	ssyncadd.s32 @!p2 $0xFFFFC000  }
0xe7: {  	s9 =	smov.u32 s3;
	p0 =	por !p0, p1;
	_ =	swait.ge @!p2 [sflag:s7], $0x4000  }
0xe8: {  	s9 =	simm.s32 @p0 $0x4E100;
	[sflag:s7] =	ssyncset.done @!p2 $0x0  }
0xe9: {  	s10 =	sshll.u32 @!p1 s9, $0x4;
	[sflag:s7] =	ssyncadd.s32 @!p2 $0xFFFFC000;
	s7 =	sxor.u32 @!p1 $0x1, s2  }
0xea: {  	s14 =	simm.s32 @!p1 $0x0;
	s10 =	sadd.s32 @!p1 s0, s10;
	s13 =	sshll.u32 @!p1 s7, $0xF  }
0xeb: {  	[tilespmem:s13], [sflag:$0x1] =	stream.linear.gather @!p1 [hbm4b:s10+s14], $0x8000, $0x38;
	[tilespmem:$0x1A340] =	vst v63  }
0xec: {  	s7 =	sshll.u32 @!p1 s7, $0x8;
	s10 =	sshrl.u32 @!p1 s9, $0x3  }
0xed: {  	s21 =	sadd.s32 $0xFFFFFF00, s3;
	s13 =	sor.u32 @!p1 $0x10000, s7;
	s10 =	sadd.s32 @!p1 s1, s10  }
0xee: {  	[tilespmem:s13], [sflag:$0x1] =	stream.linear.gather @!p1 [hbm4b:s10+s14], $0x80, $0x38;
	[tilespmem:$0x1A340] =	vst v63  }
0xef: {  	p0 =	slt.s32 s21, $0x4E100;
	s10 =	sor.u32 @!p1 $0x10080, s7;
	s7 =	smov.u32 s21  }
0xf0: {  	s7 =	simm.s32 @!p0 $0x4E100;
	p0 =	sgt.s32 s28, s21  }
0xf1: {  	s21 =	smov.u32 @p0 s28;
	s25 =	sadd.s32 $0x100, s7  }
0xf2: {  	p0 =	sgt.s32 s21, s7;
	p5 =	sgt.s32 s25, s29  }
0xf3: {  	p0 =	por p0, p5  }
0xf4: {  	p0 =	por p0, p6  }
.Ltmp6:
0xf5: {  	_ = 	snop;
	(pc) =	sbr.rel @!p0 .LBB2_7-.Ltmp6, $4  }
0xf6: {  	s9 =	sadd.s32 @!p1 $0x80, s9  }
0xf7: {  	s9 =	sshrl.u32 @!p1 s9, $0x3  }
0xf8: {  	s22 =	sshll.u32 s2, $0x8;
	s9 =	sadd.s32 @!p1 s1, s9  }
0xf9: {  	[tilespmem:s10], [sflag:$0x1] =	stream.linear.gather @!p1 [hbm4b:s9+s14], $0x80, $0x38;
	[tilespmem:$0x1A340] =	vst v63  }
0xfa: {  	v5 =	vadd.s32 s7, v2  }
0xfb: {  	s9 =	sadd.s32 $0x10, s7;
	s25 =	sadd.s32 $0x30, s7;
	vm0 =	vge.s32 v5, s21  }
0xfc: {  	v4 =	vld [tilespmem:s22+$0x10000];
	s10 =	sadd.s32 $0x40, s7;
	s13 =	sadd.s32 $0x50, s7;
	s14 =	sadd.s32 $0x60, s7;
	vm1 =	vlt.s32 v5, v3;
	v5 =	vadd.s32 s9, v2;
	v37 =	vadd.s32 s25, v2  }
0xfd: {  	v6 =	vld [tilespmem:s22+$0x10010];
	s20 =	sadd.s32 $0x70, s7;
	v39 =	vadd.s32 s10, v2;
	v41 =	vadd.s32 s13, v2;
	v43 =	vadd.s32 s14, v2  }
0xfe: {  	v7 =	vld [tilespmem:s22+$0x10020];
	s24 =	sadd.s32 $0x20, s7;
	v45 =	vadd.s32 s20, v2;
	vm0 =	vmand vm0, vm1;
	vm8 =	vge.s32 v5, s21  }
0xff: {  	v8 =	vld [tilespmem:s22+$0x10030];
	vm2 =	vlt.s32 v5, v3;
	v5 =	vadd.s32 s24, v2;
	vm13 =	vge.s32 v37, s21  }
0x100: {  	v9 =	vld [tilespmem:s22+$0x10040];
	s25 =	sadd.s32 $0x90, s7;
	s13 =	sadd.s32 $0xB0, s7;
	vm14 =	vlt.s32 v37, v3;
	vm4 =	vge.s32 v39, s21;
	vm5 =	vlt.s32 v39, v3  }
0x101: {  	v10 =	vld [tilespmem:s22+$0x10050];
	s14 =	sadd.s32 $0xC0, s7;
	s20 =	sadd.s32 $0xD0, s7;
	vm7 =	vge.s32 v41, s21;
	v49 =	vadd.s32 s25, v2;
	v52 =	vadd.s32 s13, v2  }
0x102: {  	v11 =	vld [tilespmem:s22+$0x10060];
	v56 =	vadd.s32 s14, v2;
	v60 =	vadd.s32 s20, v2;
	vm9 =	vmand vm8, vm2  }
0x103: {  	v12 =	vld [tilespmem:s22+$0x10070];
	vm10 =	vge.s32 v5, s21;
	vm11 =	vlt.s32 v5, v3;
	vm15 =	vmand vm13, vm14  }
0x104: {  	v14 =	vld [tilespmem:s22+$0x10090];
	s24 =	sadd.s32 $0x80, s7;
	s25 =	sadd.s32 $0xF0, s7;
	vm6 =	vmand vm4, vm5;
	vm8 =	vlt.s32 v41, v3;
	vm13 =	vge.s32 v45, s21  }
0x105: {  	v15 =	vld [tilespmem:s22+$0x100A0];
	vm14 =	vlt.s32 v45, v3;
	v47 =	vadd.s32 s24, v2;
	v63 =	vadd.s32 s25, v2  }
0x106: {  	v50 =	vld [tilespmem:s22+$0x100B0];
	vm12 =	vmand vm10, vm11;
	vm10 =	vge.s32 v43, s21;
	vm11 =	vlt.s32 v43, v3  }
0x107: {  	vm4 =	vge.s32 v47, s21;
	vm5 =	vlt.s32 v47, v3;
	v4 =	vsub.s32 v4, v0  }
0x108: {  	v6 =	vsub.s32 v6, v0;
	v7 =	vsub.s32 v7, v0;
	v8 =	vsub.s32 v8, v0  }
0x109: {  	v9 =	vsub.s32 v9, v0;
	v10 =	vsub.s32 v10, v0;
	v11 =	vsub.s32 v11, v0  }
0x10a: {  	v12 =	vsub.s32 v12, v0;
	v51 =	vsub.s32 v14, v0;
	v54 =	vsub.s32 v15, v0  }
0x10b: {  	v58 =	vsub.s32 v50, v0;
	v4 =	vsel vm0, v4, v1;
	v5 =	vsel vm9, v6, v1  }
0x10c: {  	v13 =	vld [tilespmem:s22+$0x10080];
	v38 =	vsel vm12, v7, v1;
	v40 =	vsel vm15, v8, v1;
	v42 =	vsel vm6, v9, v1  }
0x10d: {  	vm9 =	vmand vm7, vm8;
	vm12 =	vmand vm10, vm11;
	vm15 =	vmand vm13, vm14;
	[tilespmem:s22+$0x10000] =	vst v4  }
0x10e: {  	vm6 =	vmand vm4, vm5;
	vm7 =	vge.s32 v49, s21;
	vm8 =	vlt.s32 v49, v3;
	[tilespmem:s22+$0x10010] =	vst v5  }
0x10f: {  	vm13 =	vge.s32 v52, s21;
	vm14 =	vlt.s32 v52, v3;
	vm4 =	vge.s32 v56, s21;
	[tilespmem:s22+$0x10020] =	vst v38  }
0x110: {  	vm5 =	vlt.s32 v56, v3;
	v44 =	vsel vm9, v10, v1;
	v46 =	vsel vm12, v11, v1;
	[tilespmem:s22+$0x10030] =	vst v40  }
0x111: {  	v53 =	vld [tilespmem:s22+$0x100C0];
	s10 =	sadd.s32 $0xA0, s7;
	v48 =	vsel vm15, v12, v1;
	v4 =	vsub.s32 v13, v0;
	vm9 =	vmand vm7, vm8;
	[tilespmem:s22+$0x10040] =	vst v42  }
0x112: {  	v5 =	vadd.s32 s10, v2;
	vm15 =	vmand vm13, vm14;
	vm7 =	vge.s32 v60, s21;
	[tilespmem:s22+$0x10050] =	vst v44  }
0x113: {  	v57 =	vld [tilespmem:s22+$0x100D0];
	vm8 =	vlt.s32 v60, v3;
	vm13 =	vge.s32 v63, s21;
	vm14 =	vlt.s32 v63, v3;
	[tilespmem:s22+$0x10060] =	vst v46  }
0x114: {  	v61 =	vld [tilespmem:s22+$0x100E0];
	v4 =	vsel vm6, v4, v1;
	vm10 =	vge.s32 v5, s21;
	vm11 =	vlt.s32 v5, v3;
	[tilespmem:s22+$0x10070] =	vst v48  }
0x115: {  	v62 =	vld [tilespmem:s22+$0x100F0];
	v5 =	vsel vm9, v51, v1;
	v59 =	vsel vm15, v58, v1;
	vm6 =	vmand vm4, vm5;
	[tilespmem:s22+$0x10080] =	vst v4  }
0x116: {  	s24 =	sadd.s32 $0xE0, s7;
	vm9 =	vmand vm7, vm8;
	vm12 =	vmand vm10, vm11;
	v4 =	vsub.s32 v53, v0;
	[tilespmem:s22+$0x10090] =	vst v5  }
0x117: {  	v5 =	vadd.s32 s24, v2;
	[tilespmem:s22+$0x100B0] =	vst v59;
	v55 =	vsel vm12, v54, v1;
	v4 =	vsel vm6, v4, v1  }
.Ltmp7:
0x118: {  	vm10 =	vge.s32 v5, s21;
	vm11 =	vlt.s32 v5, v3;
	v5 =	vsub.s32 v57, v0;
	[tilespmem:s22+$0x100A0] =	vst v55;
	(pc) =	sbr.rel .LBB2_7-.Ltmp7, $4  }
0x119: {  	v5 =	vsel vm9, v5, v1;
	vm12 =	vmand vm10, vm11;
	[tilespmem:s22+$0x100C0] =	vst v4;
	v4 =	vsub.s32 v61, v0  }
0x11a: {  	vm15 =	vmand vm13, vm14;
	v4 =	vsel vm12, v4, v1;
	[tilespmem:s22+$0x100D0] =	vst v5;
	v5 =	vsub.s32 v62, v0  }
0x11b: {  	[tilespmem:s22+$0x100E0] =	vst v4;
	v4 =	vsel vm15, v5, v1  }
0x11c: {  	[tilespmem:s22+$0x100F0] =	vst v4  }
.LBB2_10:
0x11d: {  	_ =	sfence.sel $0x180000  }
0x11e: {  	[bflag:$0x0] =	sbarrier.arrive $0xFFFF  }
0x11f: {  	_ =	strace $0x90000047  }
0x120: {  	s0 =	stileid.u32;
	[bflag:$0x2] =	sbarrier.arrive $0xFFFF  }
0x121: {  	p0 =	sne.s32 s0, $0x0;
	s0 =	rddreg [dreg:$0x5]  }
0x122: {  	s0 =	sadd.s32 @!p0 $0x100000, s0  }
0x123: {  	[sflag:s0] =	ssyncadd.tile.s32 @!p0 $0x1;
	_ =	shalt  }
.Lfunc_end2:
_tile_overlayer_lowered:
.L_overlay_start_2:
0x124: {  	(tag) =	ssettag $0x2  }
0x125: {  	s0 =	rddreg [dreg:$0x0];
	s2 =	stileid.u32  }
0x126: {  	s1 =	rddreg [dreg:$0x1];
	p0 =	sne.s32 s2, $0x0  }
0x127: {  	s3 =	rddreg [dreg:$0x2];
	[bflag:$0x3] =	sbarrier.arrive $0xFFFF;
	s2 =	simm.s32 @!p0 $0x1C05  }
0x128: {  	[timem:s3], [sflag:s2] =	dma.local @!p0 [hbm:s0], s1  }
0x129: {  	s0 =	simm.s32 @!p0 $0x5  }
0x12a: {  	_ =	swait.ge @!p0 [sflag:s0], s1  }
0x12b: {  	s1 =	ssub.s32 @!p0 $0x0, s1;
	[sflag:s0] =	ssyncset.done @!p0 $0x0  }
0x12c: {  	[sflag:s0] =	ssyncadd.s32 @!p0 s1  }
0x12d: {  	[bflag:$0x3] =	sbarrier.arrive $0xFFFF  }
0x12e: {  	_ =	shalt  }

</sc_bundles>
